<compile_context>
chip_gen: v7x
topology: tpu7x:2x2x1
jax: 0.10.2.dev20260603
libtpu: 0.0.44.dev20260713+nightly
codegen_flags: <defaults>
</compile_context>

<pallas_src>
import functools

import jax
import jax.numpy as jnp
from jax import lax
from jax.experimental import pallas as pl
from jax.experimental.pallas import tpu as pltpu
from jax.experimental.pallas import tpu_sc as plsc

NUM_CORES = 2
NUM_SUBCORES = 16
NUM_WORKERS = NUM_CORES * NUM_SUBCORES

IDX_VEC = 128
K_PER_STEP = 8
CHUNK = K_PER_STEP * IDX_VEC


def _gather_call(n_rows, dim):
    n_vecs = n_rows // IDX_VEC
    vecs_per_worker = n_vecs // NUM_WORKERS
    steps = vecs_per_worker // K_PER_STEP
    rows_per_worker = n_rows // NUM_WORKERS
    assert steps % 2 == 1 and steps >= 3

    mesh = plsc.VectorSubcoreMesh(core_axis_name="c", subcore_axis_name="s")

    @functools.partial(
        pl.kernel,
        mesh=mesh,
        out_type=jax.ShapeDtypeStruct((n_rows, dim), jnp.float32),
        scratch_types=[
            pltpu.VMEM((2, K_PER_STEP, IDX_VEC), jnp.int32),
            pltpu.VMEM((2, CHUNK, dim), jnp.float32),
            pltpu.SemaphoreType.DMA,
            pltpu.SemaphoreType.DMA,
            pltpu.SemaphoreType.DMA,
            pltpu.SemaphoreType.DMA,
        ],
        compiler_params=pltpu.CompilerParams(
            use_tc_tiling_on_sc=False,
            skip_device_barrier=True,
            disable_semaphore_checks=True,
        ),
    )
    def k(idx_hbm, table_hbm, out_hbm, idx_v, rows_v, g0, g1, o0, o1):
        gsem = (g0, g1)
        osem = (o0, o1)
        wid = lax.axis_index("s") * NUM_CORES + lax.axis_index("c")
        vec_base = wid * vecs_per_worker
        row_base = wid * rows_per_worker

        def load_and_fire(g, b):
            pltpu.sync_copy(
                idx_hbm.at[pl.ds(vec_base + g * K_PER_STEP, K_PER_STEP)],
                idx_v.at[b],
            )
            for j in range(K_PER_STEP):
                pltpu.async_copy(
                    table_hbm.at[idx_v.at[b].at[j]],
                    rows_v.at[b].at[pl.ds(j * IDX_VEC, IDX_VEC)],
                    gsem[b],
                )

        def wait_gathers(b):
            for j in range(K_PER_STEP):
                pltpu.make_async_copy(
                    table_hbm.at[idx_v.at[b].at[j]],
                    rows_v.at[b].at[pl.ds(j * IDX_VEC, IDX_VEC)],
                    gsem[b],
                ).wait()

        def fire_writeback(g, b):
            pltpu.async_copy(
                rows_v.at[b],
                out_hbm.at[pl.ds(row_base + g * CHUNK, CHUNK)],
                osem[b],
            )

        def wait_writeback(g, b):
            pltpu.make_async_copy(
                rows_v.at[b],
                out_hbm.at[pl.ds(row_base + g * CHUNK, CHUNK)],
                osem[b],
            ).wait()

        load_and_fire(0, 0)

        def body(t, _):
            ga = 2 * t + 1

            @pl.when(t >= 1)
            def _():
                wait_writeback(ga - 2, 1)

            load_and_fire(ga, 1)
            wait_gathers(0)
            fire_writeback(ga - 1, 0)

            gb = ga + 1
            wait_writeback(gb - 2, 0)
            load_and_fire(gb, 0)
            wait_gathers(1)
            fire_writeback(gb - 1, 1)
            return 0

        lax.fori_loop(0, (steps - 1) // 2, body, 0)

        last = steps - 1
        wait_gathers(0)
        fire_writeback(last, 0)
        wait_writeback(last - 1, 1)
        wait_writeback(last, 0)

    return k


def kernel(token_ids, weight):
    b, s = token_ids.shape
    dim = weight.shape[1]
    n_rows = b * s
    ids = token_ids.astype(jnp.int32).reshape(n_rows // IDX_VEC, IDX_VEC)
    out = _gather_call(n_rows, dim)(ids, weight)
    return out.reshape(b, s, dim)

# --- scband reference (transcript-rebuilt; emitter-appended) ---
"""Pipeline reference for scband-embedding-11261404250491 (READ-ONLY COPY).

The authoritative reference and input builder live on the scoring server;
editing this copy changes nothing except your own understanding.
"""

import jax, jax.numpy as jnp
import numpy as np
import math

NUM_EMBEDDINGS = 1000000
EMBEDDING_DIM = 32

def setup_inputs(seed: int = 0) -> dict:
    key = jax.random.key(seed)
    k_ids, k_w = jax.random.split(key)
    token_ids = jax.random.randint(k_ids, (16384, 50), 0, NUM_EMBEDDINGS, dtype=jnp.int64 if jax.config.jax_enable_x64 else jnp.int32)
    std = 1.0 / math.sqrt(EMBEDDING_DIM)
    # trunc_normal_ approximated with normal clipped to 2 std (matches torch trunc_normal default [-2std, 2std])
    weight = jnp.clip(jax.random.normal(k_w, (NUM_EMBEDDINGS, EMBEDDING_DIM), dtype=jnp.float32) * std, -2.0 * std, 2.0 * std)
    return {"token_ids": token_ids, "weight": weight}

def reference(token_ids, weight):
    # Faithful translation of Embedding.forward: weight[ids]
    ids = token_ids.astype(jnp.int32)
    return jnp.take(weight, ids, axis=0)

if __name__ == "__main__":
    import jax
    _d = setup_inputs()
    print(jax.jit(kernel)(*tuple(_d.values())))

</pallas_src>

<mosaic_0001>
#map = affine_map<(d0, d1) -> (0, 0)>
module attributes {stable_mosaic.version = 14 : i64} {
  func.func @k(%arg0: i32, %arg1: i32, %arg2: memref<6400x128xi32, #tpu.memory_space<hbm>>, %arg3: memref<1000000x32xf32, #tpu.memory_space<hbm>>, %arg4: memref<819200x32xf32, #tpu.memory_space<hbm>>, %arg5: memref<2x8x128xi32, #tpu.memory_space<vmem>>, %arg6: memref<2x1024x32xf32, #tpu.memory_space<vmem>>, %arg7: memref<!tpu.dma_semaphore, #tpu.memory_space<semaphore_mem>>, %arg8: memref<!tpu.dma_semaphore, #tpu.memory_space<semaphore_mem>>, %arg9: memref<!tpu.dma_semaphore, #tpu.memory_space<semaphore_mem>>, %arg10: memref<!tpu.dma_semaphore, #tpu.memory_space<semaphore_mem>>) attributes {dimension_semantics = [#tpu.dimension_semantics<core_parallel>, #tpu.dimension_semantics<subcore_parallel>], iteration_bounds = array<i64: 2, 16>, scalar_prefetch = 0 : i64, scratch_operands = 6 : i64, tpu.core_type = #tpu.core_type<sc_vector_subcore>, window_params = [{transform_indices = #map}, {transform_indices = #map}, {transform_indices = #map}]} {
    %mul3A = arith.constant 2 : i32
    %mul3A_0 = arith.muli %arg1, %mul3A : i32
    %add3A = arith.addi %mul3A_0, %arg0 : i32
    %mul3A_1 = arith.constant 200 : i32
    %mul3A_2 = arith.muli %add3A, %mul3A_1 : i32
    %mul3A_3 = arith.constant 25600 : i32
    %mul3A_4 = arith.muli %add3A, %mul3A_3 : i32
    %add3A_5 = arith.constant 0 : i32
    %add3A_6 = arith.addi %mul3A_2, %add3A_5 : i32
    %run_scoped3A = arith.constant 0 : i32
    "tpu.region"() ({
      %run_scoped3A_376 = tpu.sem_alloc : memref<!tpu.dma_semaphore, #tpu.memory_space<semaphore_mem>>
      %dma_start3A_377 = arith.constant 0 : i32
      %dma_start3A_378 = arith.constant 0 : i32
      %dma_start3A_379 = tpu.memref_slice %arg5[%run_scoped3A, %dma_start3A_377, %dma_start3A_378] : memref<2x8x128xi32, #tpu.memory_space<vmem>> -> memref<1x8x128xi32, #tpu.memory_space<vmem>>
      %dma_start3A_380 = tpu.memref_squeeze %dma_start3A_379 : memref<1x8x128xi32, #tpu.memory_space<vmem>> -> memref<8x128xi32, #tpu.memory_space<vmem>>
      %dma_start3A_381 = arith.constant 0 : i32
      %dma_start3A_382 = tpu.memref_slice %arg2[%add3A_6, %dma_start3A_381] : memref<6400x128xi32, #tpu.memory_space<hbm>> -> memref<8x128xi32, #tpu.memory_space<hbm>>
      %dma_start3A_383 = arith.constant 0 : i32
      %dma_start3A_384 = arith.constant 0 : i32
      %dma_start3A_385 = tpu.memref_slice %arg5[%run_scoped3A, %dma_start3A_383, %dma_start3A_384] : memref<2x8x128xi32, #tpu.memory_space<vmem>> -> memref<1x8x128xi32, #tpu.memory_space<vmem>>
      %dma_start3A_386 = tpu.memref_squeeze %dma_start3A_385 : memref<1x8x128xi32, #tpu.memory_space<vmem>> -> memref<8x128xi32, #tpu.memory_space<vmem>>
      %dma_start3A_387 = arith.constant 0 : i32
      %dma_start3A_388 = tpu.memref_slice %arg2[%add3A_6, %dma_start3A_387] : memref<6400x128xi32, #tpu.memory_space<hbm>> -> memref<8x128xi32, #tpu.memory_space<hbm>>
      tpu.enqueue_dma source(%dma_start3A_388 : memref<8x128xi32, #tpu.memory_space<hbm>>) target(%dma_start3A_386 : memref<8x128xi32, #tpu.memory_space<vmem>>) target_semaphore(%run_scoped3A_376 : memref<!tpu.dma_semaphore, #tpu.memory_space<semaphore_mem>>)
      %dma_wait3A_389 = arith.constant 0 : i32
      %dma_wait3A_390 = arith.constant 0 : i32
      %dma_wait3A_391 = tpu.memref_slice %arg5[%run_scoped3A, %dma_wait3A_389, %dma_wait3A_390] : memref<2x8x128xi32, #tpu.memory_space<vmem>> -> memref<1x8x128xi32, #tpu.memory_space<vmem>>
      %dma_wait3A_392 = tpu.memref_squeeze %dma_wait3A_391 : memref<1x8x128xi32, #tpu.memory_space<vmem>> -> memref<8x128xi32, #tpu.memory_space<vmem>>
      %dma_wait3A_393 = arith.constant 0 : i32
      %dma_wait3A_394 = tpu.memref_slice %arg2[%add3A_6, %dma_wait3A_393] : memref<6400x128xi32, #tpu.memory_space<hbm>> -> memref<8x128xi32, #tpu.memory_space<hbm>>
      %dma_wait3A_395 = arith.constant 0 : i32
      %dma_wait3A_396 = arith.constant 0 : i32
      %dma_wait3A_397 = tpu.memref_slice %arg5[%run_scoped3A, %dma_wait3A_395, %dma_wait3A_396] : memref<2x8x128xi32, #tpu.memory_space<vmem>> -> memref<1x8x128xi32, #tpu.memory_space<vmem>>
      %dma_wait3A_398 = tpu.memref_squeeze %dma_wait3A_397 : memref<1x8x128xi32, #tpu.memory_space<vmem>> -> memref<8x128xi32, #tpu.memory_space<vmem>>
      %dma_wait3A_399 = arith.constant 0 : i32
      %dma_wait3A_400 = tpu.memref_slice %arg2[%add3A_6, %dma_wait3A_399] : memref<6400x128xi32, #tpu.memory_space<hbm>> -> memref<8x128xi32, #tpu.memory_space<hbm>>
      tpu.wait_dma2 semaphore(%run_scoped3A_376 : memref<!tpu.dma_semaphore, #tpu.memory_space<semaphore_mem>>) src(%dma_wait3A_400 : memref<8x128xi32, #tpu.memory_space<hbm>>) dst(%dma_wait3A_398 : memref<8x128xi32, #tpu.memory_space<vmem>>)
      tpu.yield
    }) : () -> ()
    %dma_start3A = arith.constant 0 : i32
    %dma_start3A_7 = arith.constant 0 : i32
    %dma_start3A_8 = arith.constant 0 : i32
    %dma_start3A_9 = arith.constant 0 : i32
    %dma_start3A_10 = arith.constant 0 : i32
    %dma_start3A_11 = tpu.memref_slice %arg6[%dma_start3A_8, %dma_start3A_9, %dma_start3A_10] : memref<2x1024x32xf32, #tpu.memory_space<vmem>> -> memref<1x1024x32xf32, #tpu.memory_space<vmem>>
    %dma_start3A_12 = tpu.memref_squeeze %dma_start3A_11 : memref<1x1024x32xf32, #tpu.memory_space<vmem>> -> memref<1024x32xf32, #tpu.memory_space<vmem>>
    %dma_start3A_13 = arith.constant 0 : i32
    %dma_start3A_14 = arith.constant 0 : i32
    %dma_start3A_15 = tpu.memref_slice %dma_start3A_12[%dma_start3A_13, %dma_start3A_14] : memref<1024x32xf32, #tpu.memory_space<vmem>> -> memref<128x32xf32, #tpu.memory_space<vmem>>
    %dma_start3A_16 = arith.constant 0 : i32
    %dma_start3A_17 = arith.constant 0 : i32
    %dma_start3A_18 = tpu.memref_slice %arg5[%dma_start3A, %dma_start3A_16, %dma_start3A_17] : memref<2x8x128xi32, #tpu.memory_space<vmem>> -> memref<1x8x128xi32, #tpu.memory_space<vmem>>
    %dma_start3A_19 = tpu.memref_squeeze %dma_start3A_18 : memref<1x8x128xi32, #tpu.memory_space<vmem>> -> memref<8x128xi32, #tpu.memory_space<vmem>>
    %dma_start3A_20 = arith.constant 0 : i32
    %dma_start3A_21 = tpu.memref_slice %dma_start3A_19[%dma_start3A_7, %dma_start3A_20] : memref<8x128xi32, #tpu.memory_space<vmem>> -> memref<1x128xi32, #tpu.memory_space<vmem>>
    %dma_start3A_22 = tpu.memref_squeeze %dma_start3A_21 : memref<1x128xi32, #tpu.memory_space<vmem>> -> memref<128xi32, #tpu.memory_space<vmem>>
    %dma_start3A_23 = arith.constant 0 : i32
    %dma_start3A_24 = arith.constant 0 : i32
    %dma_start3A_25 = tpu.memref_slice %arg3[%dma_start3A_23, %dma_start3A_24] : memref<1000000x32xf32, #tpu.memory_space<hbm>> -> memref<1000000x32xf32, #tpu.memory_space<hbm>>
    tpu.enqueue_indirect_dma source(%dma_start3A_25 : memref<1000000x32xf32, #tpu.memory_space<hbm>>) target(%dma_start3A_15 : memref<128x32xf32, #tpu.memory_space<vmem>>) offsets(%dma_start3A_22 : memref<128xi32, #tpu.memory_space<vmem>>) semaphore(%arg7 : memref<!tpu.dma_semaphore, #tpu.memory_space<semaphore_mem>>)
    %dma_start3A_26 = arith.constant 0 : i32
    %dma_start3A_27 = arith.constant 1 : i32
    %dma_start3A_28 = arith.constant 0 : i32
    %dma_start3A_29 = arith.constant 0 : i32
    %dma_start3A_30 = arith.constant 0 : i32
    %dma_start3A_31 = tpu.memref_slice %arg6[%dma_start3A_28, %dma_start3A_29, %dma_start3A_30] : memref<2x1024x32xf32, #tpu.memory_space<vmem>> -> memref<1x1024x32xf32, #tpu.memory_space<vmem>>
    %dma_start3A_32 = tpu.memref_squeeze %dma_start3A_31 : memref<1x1024x32xf32, #tpu.memory_space<vmem>> -> memref<1024x32xf32, #tpu.memory_space<vmem>>
    %dma_start3A_33 = arith.constant 128 : i32
    %dma_start3A_34 = arith.constant 0 : i32
    %dma_start3A_35 = tpu.memref_slice %dma_start3A_32[%dma_start3A_33, %dma_start3A_34] : memref<1024x32xf32, #tpu.memory_space<vmem>> -> memref<128x32xf32, #tpu.memory_space<vmem>>
    %dma_start3A_36 = arith.constant 0 : i32
    %dma_start3A_37 = arith.constant 0 : i32
    %dma_start3A_38 = tpu.memref_slice %arg5[%dma_start3A_26, %dma_start3A_36, %dma_start3A_37] : memref<2x8x128xi32, #tpu.memory_space<vmem>> -> memref<1x8x128xi32, #tpu.memory_space<vmem>>
    %dma_start3A_39 = tpu.memref_squeeze %dma_start3A_38 : memref<1x8x128xi32, #tpu.memory_space<vmem>> -> memref<8x128xi32, #tpu.memory_space<vmem>>
    %dma_start3A_40 = arith.constant 0 : i32
    %dma_start3A_41 = tpu.memref_slice %dma_start3A_39[%dma_start3A_27, %dma_start3A_40] : memref<8x128xi32, #tpu.memory_space<vmem>> -> memref<1x128xi32, #tpu.memory_space<vmem>>
    %dma_start3A_42 = tpu.memref_squeeze %dma_start3A_41 : memref<1x128xi32, #tpu.memory_space<vmem>> -> memref<128xi32, #tpu.memory_space<vmem>>
    %dma_start3A_43 = arith.constant 0 : i32
    %dma_start3A_44 = arith.constant 0 : i32
    %dma_start3A_45 = tpu.memref_slice %arg3[%dma_start3A_43, %dma_start3A_44] : memref<1000000x32xf32, #tpu.memory_space<hbm>> -> memref<1000000x32xf32, #tpu.memory_space<hbm>>
    tpu.enqueue_indirect_dma source(%dma_start3A_45 : memref<1000000x32xf32, #tpu.memory_space<hbm>>) target(%dma_start3A_35 : memref<128x32xf32, #tpu.memory_space<vmem>>) offsets(%dma_start3A_42 : memref<128xi32, #tpu.memory_space<vmem>>) semaphore(%arg7 : memref<!tpu.dma_semaphore, #tpu.memory_space<semaphore_mem>>)
    %dma_start3A_46 = arith.constant 0 : i32
    %dma_start3A_47 = arith.constant 2 : i32
    %dma_start3A_48 = arith.constant 0 : i32
    %dma_start3A_49 = arith.constant 0 : i32
    %dma_start3A_50 = arith.constant 0 : i32
    %dma_start3A_51 = tpu.memref_slice %arg6[%dma_start3A_48, %dma_start3A_49, %dma_start3A_50] : memref<2x1024x32xf32, #tpu.memory_space<vmem>> -> memref<1x1024x32xf32, #tpu.memory_space<vmem>>
    %dma_start3A_52 = tpu.memref_squeeze %dma_start3A_51 : memref<1x1024x32xf32, #tpu.memory_space<vmem>> -> memref<1024x32xf32, #tpu.memory_space<vmem>>
    %dma_start3A_53 = arith.constant 256 : i32
    %dma_start3A_54 = arith.constant 0 : i32
    %dma_start3A_55 = tpu.memref_slice %dma_start3A_52[%dma_start3A_53, %dma_start3A_54] : memref<1024x32xf32, #tpu.memory_space<vmem>> -> memref<128x32xf32, #tpu.memory_space<vmem>>
    %dma_start3A_56 = arith.constant 0 : i32
    %dma_start3A_57 = arith.constant 0 : i32
    %dma_start3A_58 = tpu.memref_slice %arg5[%dma_start3A_46, %dma_start3A_56, %dma_start3A_57] : memref<2x8x128xi32, #tpu.memory_space<vmem>> -> memref<1x8x128xi32, #tpu.memory_space<vmem>>
    %dma_start3A_59 = tpu.memref_squeeze %dma_start3A_58 : memref<1x8x128xi32, #tpu.memory_space<vmem>> -> memref<8x128xi32, #tpu.memory_space<vmem>>
    %dma_start3A_60 = arith.constant 0 : i32
    %dma_start3A_61 = tpu.memref_slice %dma_start3A_59[%dma_start3A_47, %dma_start3A_60] : memref<8x128xi32, #tpu.memory_space<vmem>> -> memref<1x128xi32, #tpu.memory_space<vmem>>
    %dma_start3A_62 = tpu.memref_squeeze %dma_start3A_61 : memref<1x128xi32, #tpu.memory_space<vmem>> -> memref<128xi32, #tpu.memory_space<vmem>>
    %dma_start3A_63 = arith.constant 0 : i32
    %dma_start3A_64 = arith.constant 0 : i32
    %dma_start3A_65 = tpu.memref_slice %arg3[%dma_start3A_63, %dma_start3A_64] : memref<1000000x32xf32, #tpu.memory_space<hbm>> -> memref<1000000x32xf32, #tpu.memory_space<hbm>>
    tpu.enqueue_indirect_dma source(%dma_start3A_65 : memref<1000000x32xf32, #tpu.memory_space<hbm>>) target(%dma_start3A_55 : memref<128x32xf32, #tpu.memory_space<vmem>>) offsets(%dma_start3A_62 : memref<128xi32, #tpu.memory_space<vmem>>) semaphore(%arg7 : memref<!tpu.dma_semaphore, #tpu.memory_space<semaphore_mem>>)
    %dma_start3A_66 = arith.constant 0 : i32
    %dma_start3A_67 = arith.constant 3 : i32
    %dma_start3A_68 = arith.constant 0 : i32
    %dma_start3A_69 = arith.constant 0 : i32
    %dma_start3A_70 = arith.constant 0 : i32
    %dma_start3A_71 = tpu.memref_slice %arg6[%dma_start3A_68, %dma_start3A_69, %dma_start3A_70] : memref<2x1024x32xf32, #tpu.memory_space<vmem>> -> memref<1x1024x32xf32, #tpu.memory_space<vmem>>
    %dma_start3A_72 = tpu.memref_squeeze %dma_start3A_71 : memref<1x1024x32xf32, #tpu.memory_space<vmem>> -> memref<1024x32xf32, #tpu.memory_space<vmem>>
    %dma_start3A_73 = arith.constant 384 : i32
    %dma_start3A_74 = arith.constant 0 : i32
    %dma_start3A_75 = tpu.memref_slice %dma_start3A_72[%dma_start3A_73, %dma_start3A_74] : memref<1024x32xf32, #tpu.memory_space<vmem>> -> memref<128x32xf32, #tpu.memory_space<vmem>>
    %dma_start3A_76 = arith.constant 0 : i32
    %dma_start3A_77 = arith.constant 0 : i32
    %dma_start3A_78 = tpu.memref_slice %arg5[%dma_start3A_66, %dma_start3A_76, %dma_start3A_77] : memref<2x8x128xi32, #tpu.memory_space<vmem>> -> memref<1x8x128xi32, #tpu.memory_space<vmem>>
    %dma_start3A_79 = tpu.memref_squeeze %dma_start3A_78 : memref<1x8x128xi32, #tpu.memory_space<vmem>> -> memref<8x128xi32, #tpu.memory_space<vmem>>
    %dma_start3A_80 = arith.constant 0 : i32
    %dma_start3A_81 = tpu.memref_slice %dma_start3A_79[%dma_start3A_67, %dma_start3A_80] : memref<8x128xi32, #tpu.memory_space<vmem>> -> memref<1x128xi32, #tpu.memory_space<vmem>>
    %dma_start3A_82 = tpu.memref_squeeze %dma_start3A_81 : memref<1x128xi32, #tpu.memory_space<vmem>> -> memref<128xi32, #tpu.memory_space<vmem>>
    %dma_start3A_83 = arith.constant 0 : i32
    %dma_start3A_84 = arith.constant 0 : i32
    %dma_start3A_85 = tpu.memref_slice %arg3[%dma_start3A_83, %dma_start3A_84] : memref<1000000x32xf32, #tpu.memory_space<hbm>> -> memref<1000000x32xf32, #tpu.memory_space<hbm>>
    tpu.enqueue_indirect_dma source(%dma_start3A_85 : memref<1000000x32xf32, #tpu.memory_space<hbm>>) target(%dma_start3A_75 : memref<128x32xf32, #tpu.memory_space<vmem>>) offsets(%dma_start3A_82 : memref<128xi32, #tpu.memory_space<vmem>>) semaphore(%arg7 : memref<!tpu.dma_semaphore, #tpu.memory_space<semaphore_mem>>)
    %dma_start3A_86 = arith.constant 0 : i32
    %dma_start3A_87 = arith.constant 4 : i32
    %dma_start3A_88 = arith.constant 0 : i32
    %dma_start3A_89 = arith.constant 0 : i32
    %dma_start3A_90 = arith.constant 0 : i32
    %dma_start3A_91 = tpu.memref_slice %arg6[%dma_start3A_88, %dma_start3A_89, %dma_start3A_90] : memref<2x1024x32xf32, #tpu.memory_space<vmem>> -> memref<1x1024x32xf32, #tpu.memory_space<vmem>>
    %dma_start3A_92 = tpu.memref_squeeze %dma_start3A_91 : memref<1x1024x32xf32, #tpu.memory_space<vmem>> -> memref<1024x32xf32, #tpu.memory_space<vmem>>
    %dma_start3A_93 = arith.constant 512 : i32
    %dma_start3A_94 = arith.constant 0 : i32
    %dma_start3A_95 = tpu.memref_slice %dma_start3A_92[%dma_start3A_93, %dma_start3A_94] : memref<1024x32xf32, #tpu.memory_space<vmem>> -> memref<128x32xf32, #tpu.memory_space<vmem>>
    %dma_start3A_96 = arith.constant 0 : i32
    %dma_start3A_97 = arith.constant 0 : i32
    %dma_start3A_98 = tpu.memref_slice %arg5[%dma_start3A_86, %dma_start3A_96, %dma_start3A_97] : memref<2x8x128xi32, #tpu.memory_space<vmem>> -> memref<1x8x128xi32, #tpu.memory_space<vmem>>
    %dma_start3A_99 = tpu.memref_squeeze %dma_start3A_98 : memref<1x8x128xi32, #tpu.memory_space<vmem>> -> memref<8x128xi32, #tpu.memory_space<vmem>>
    %dma_start3A_100 = arith.constant 0 : i32
    %dma_start3A_101 = tpu.memref_slice %dma_start3A_99[%dma_start3A_87, %dma_start3A_100] : memref<8x128xi32, #tpu.memory_space<vmem>> -> memref<1x128xi32, #tpu.memory_space<vmem>>
    %dma_start3A_102 = tpu.memref_squeeze %dma_start3A_101 : memref<1x128xi32, #tpu.memory_space<vmem>> -> memref<128xi32, #tpu.memory_space<vmem>>
    %dma_start3A_103 = arith.constant 0 : i32
    %dma_start3A_104 = arith.constant 0 : i32
    %dma_start3A_105 = tpu.memref_slice %arg3[%dma_start3A_103, %dma_start3A_104] : memref<1000000x32xf32, #tpu.memory_space<hbm>> -> memref<1000000x32xf32, #tpu.memory_space<hbm>>
    tpu.enqueue_indirect_dma source(%dma_start3A_105 : memref<1000000x32xf32, #tpu.memory_space<hbm>>) target(%dma_start3A_95 : memref<128x32xf32, #tpu.memory_space<vmem>>) offsets(%dma_start3A_102 : memref<128xi32, #tpu.memory_space<vmem>>) semaphore(%arg7 : memref<!tpu.dma_semaphore, #tpu.memory_space<semaphore_mem>>)
    %dma_start3A_106 = arith.constant 0 : i32
    %dma_start3A_107 = arith.constant 5 : i32
    %dma_start3A_108 = arith.constant 0 : i32
    %dma_start3A_109 = arith.constant 0 : i32
    %dma_start3A_110 = arith.constant 0 : i32
    %dma_start3A_111 = tpu.memref_slice %arg6[%dma_start3A_108, %dma_start3A_109, %dma_start3A_110] : memref<2x1024x32xf32, #tpu.memory_space<vmem>> -> memref<1x1024x32xf32, #tpu.memory_space<vmem>>
    %dma_start3A_112 = tpu.memref_squeeze %dma_start3A_111 : memref<1x1024x32xf32, #tpu.memory_space<vmem>> -> memref<1024x32xf32, #tpu.memory_space<vmem>>
    %dma_start3A_113 = arith.constant 640 : i32
    %dma_start3A_114 = arith.constant 0 : i32
    %dma_start3A_115 = tpu.memref_slice %dma_start3A_112[%dma_start3A_113, %dma_start3A_114] : memref<1024x32xf32, #tpu.memory_space<vmem>> -> memref<128x32xf32, #tpu.memory_space<vmem>>
    %dma_start3A_116 = arith.constant 0 : i32
    %dma_start3A_117 = arith.constant 0 : i32
    %dma_start3A_118 = tpu.memref_slice %arg5[%dma_start3A_106, %dma_start3A_116, %dma_start3A_117] : memref<2x8x128xi32, #tpu.memory_space<vmem>> -> memref<1x8x128xi32, #tpu.memory_space<vmem>>
    %dma_start3A_119 = tpu.memref_squeeze %dma_start3A_118 : memref<1x8x128xi32, #tpu.memory_space<vmem>> -> memref<8x128xi32, #tpu.memory_space<vmem>>
    %dma_start3A_120 = arith.constant 0 : i32
    %dma_start3A_121 = tpu.memref_slice %dma_start3A_119[%dma_start3A_107, %dma_start3A_120] : memref<8x128xi32, #tpu.memory_space<vmem>> -> memref<1x128xi32, #tpu.memory_space<vmem>>
    %dma_start3A_122 = tpu.memref_squeeze %dma_start3A_121 : memref<1x128xi32, #tpu.memory_space<vmem>> -> memref<128xi32, #tpu.memory_space<vmem>>
    %dma_start3A_123 = arith.constant 0 : i32
    %dma_start3A_124 = arith.constant 0 : i32
    %dma_start3A_125 = tpu.memref_slice %arg3[%dma_start3A_123, %dma_start3A_124] : memref<1000000x32xf32, #tpu.memory_space<hbm>> -> memref<1000000x32xf32, #tpu.memory_space<hbm>>
    tpu.enqueue_indirect_dma source(%dma_start3A_125 : memref<1000000x32xf32, #tpu.memory_space<hbm>>) target(%dma_start3A_115 : memref<128x32xf32, #tpu.memory_space<vmem>>) offsets(%dma_start3A_122 : memref<128xi32, #tpu.memory_space<vmem>>) semaphore(%arg7 : memref<!tpu.dma_semaphore, #tpu.memory_space<semaphore_mem>>)
    %dma_start3A_126 = arith.constant 0 : i32
    %dma_start3A_127 = arith.constant 6 : i32
    %dma_start3A_128 = arith.constant 0 : i32
    %dma_start3A_129 = arith.constant 0 : i32
    %dma_start3A_130 = arith.constant 0 : i32
    %dma_start3A_131 = tpu.memref_slice %arg6[%dma_start3A_128, %dma_start3A_129, %dma_start3A_130] : memref<2x1024x32xf32, #tpu.memory_space<vmem>> -> memref<1x1024x32xf32, #tpu.memory_space<vmem>>
    %dma_start3A_132 = tpu.memref_squeeze %dma_start3A_131 : memref<1x1024x32xf32, #tpu.memory_space<vmem>> -> memref<1024x32xf32, #tpu.memory_space<vmem>>
    %dma_start3A_133 = arith.constant 768 : i32
    %dma_start3A_134 = arith.constant 0 : i32
    %dma_start3A_135 = tpu.memref_slice %dma_start3A_132[%dma_start3A_133, %dma_start3A_134] : memref<1024x32xf32, #tpu.memory_space<vmem>> -> memref<128x32xf32, #tpu.memory_space<vmem>>
    %dma_start3A_136 = arith.constant 0 : i32
    %dma_start3A_137 = arith.constant 0 : i32
    %dma_start3A_138 = tpu.memref_slice %arg5[%dma_start3A_126, %dma_start3A_136, %dma_start3A_137] : memref<2x8x128xi32, #tpu.memory_space<vmem>> -> memref<1x8x128xi32, #tpu.memory_space<vmem>>
    %dma_start3A_139 = tpu.memref_squeeze %dma_start3A_138 : memref<1x8x128xi32, #tpu.memory_space<vmem>> -> memref<8x128xi32, #tpu.memory_space<vmem>>
    %dma_start3A_140 = arith.constant 0 : i32
    %dma_start3A_141 = tpu.memref_slice %dma_start3A_139[%dma_start3A_127, %dma_start3A_140] : memref<8x128xi32, #tpu.memory_space<vmem>> -> memref<1x128xi32, #tpu.memory_space<vmem>>
    %dma_start3A_142 = tpu.memref_squeeze %dma_start3A_141 : memref<1x128xi32, #tpu.memory_space<vmem>> -> memref<128xi32, #tpu.memory_space<vmem>>
    %dma_start3A_143 = arith.constant 0 : i32
    %dma_start3A_144 = arith.constant 0 : i32
    %dma_start3A_145 = tpu.memref_slice %arg3[%dma_start3A_143, %dma_start3A_144] : memref<1000000x32xf32, #tpu.memory_space<hbm>> -> memref<1000000x32xf32, #tpu.memory_space<hbm>>
    tpu.enqueue_indirect_dma source(%dma_start3A_145 : memref<1000000x32xf32, #tpu.memory_space<hbm>>) target(%dma_start3A_135 : memref<128x32xf32, #tpu.memory_space<vmem>>) offsets(%dma_start3A_142 : memref<128xi32, #tpu.memory_space<vmem>>) semaphore(%arg7 : memref<!tpu.dma_semaphore, #tpu.memory_space<semaphore_mem>>)
    %dma_start3A_146 = arith.constant 0 : i32
    %dma_start3A_147 = arith.constant 7 : i32
    %dma_start3A_148 = arith.constant 0 : i32
    %dma_start3A_149 = arith.constant 0 : i32
    %dma_start3A_150 = arith.constant 0 : i32
    %dma_start3A_151 = tpu.memref_slice %arg6[%dma_start3A_148, %dma_start3A_149, %dma_start3A_150] : memref<2x1024x32xf32, #tpu.memory_space<vmem>> -> memref<1x1024x32xf32, #tpu.memory_space<vmem>>
    %dma_start3A_152 = tpu.memref_squeeze %dma_start3A_151 : memref<1x1024x32xf32, #tpu.memory_space<vmem>> -> memref<1024x32xf32, #tpu.memory_space<vmem>>
    %dma_start3A_153 = arith.constant 896 : i32
    %dma_start3A_154 = arith.constant 0 : i32
    %dma_start3A_155 = tpu.memref_slice %dma_start3A_152[%dma_start3A_153, %dma_start3A_154] : memref<1024x32xf32, #tpu.memory_space<vmem>> -> memref<128x32xf32, #tpu.memory_space<vmem>>
    %dma_start3A_156 = arith.constant 0 : i32
    %dma_start3A_157 = arith.constant 0 : i32
    %dma_start3A_158 = tpu.memref_slice %arg5[%dma_start3A_146, %dma_start3A_156, %dma_start3A_157] : memref<2x8x128xi32, #tpu.memory_space<vmem>> -> memref<1x8x128xi32, #tpu.memory_space<vmem>>
    %dma_start3A_159 = tpu.memref_squeeze %dma_start3A_158 : memref<1x8x128xi32, #tpu.memory_space<vmem>> -> memref<8x128xi32, #tpu.memory_space<vmem>>
    %dma_start3A_160 = arith.constant 0 : i32
    %dma_start3A_161 = tpu.memref_slice %dma_start3A_159[%dma_start3A_147, %dma_start3A_160] : memref<8x128xi32, #tpu.memory_space<vmem>> -> memref<1x128xi32, #tpu.memory_space<vmem>>
    %dma_start3A_162 = tpu.memref_squeeze %dma_start3A_161 : memref<1x128xi32, #tpu.memory_space<vmem>> -> memref<128xi32, #tpu.memory_space<vmem>>
    %dma_start3A_163 = arith.constant 0 : i32
    %dma_start3A_164 = arith.constant 0 : i32
    %dma_start3A_165 = tpu.memref_slice %arg3[%dma_start3A_163, %dma_start3A_164] : memref<1000000x32xf32, #tpu.memory_space<hbm>> -> memref<1000000x32xf32, #tpu.memory_space<hbm>>
    tpu.enqueue_indirect_dma source(%dma_start3A_165 : memref<1000000x32xf32, #tpu.memory_space<hbm>>) target(%dma_start3A_155 : memref<128x32xf32, #tpu.memory_space<vmem>>) offsets(%dma_start3A_162 : memref<128xi32, #tpu.memory_space<vmem>>) semaphore(%arg7 : memref<!tpu.dma_semaphore, #tpu.memory_space<semaphore_mem>>)
    %scan3A = arith.constant 0 : i32
    %scan3A_166 = arith.constant 0 : i32
    %scan3A_167 = arith.constant 12 : i32
    %scan3A_168 = arith.addi %scan3A_166, %scan3A_167 : i32
    %scan3A_169 = arith.constant 1 : i32
    %scan3A_170 = scf.for %scan3A_376 = %scan3A_166 to %scan3A_168 step %scan3A_169 iter_args(%scan3A_377 = %scan3A) -> (i32)  : i32 {
      %mul3A_378 = arith.constant 2 : i32
      %mul3A_379 = arith.muli %mul3A_378, %scan3A_376 : i32
      %add3A_380 = arith.constant 1 : i32
      %add3A_381 = arith.addi %mul3A_379, %add3A_380 : i32
      %ge3A = arith.constant 1 : i32
      %ge3A_382 = arith.cmpi sge, %scan3A_376, %ge3A : i32
      %convert_element_type3A = arith.extui %ge3A_382 : i1 to i32
      %cond3A = arith.constant 0 : i32
      %cond3A_383 = arith.cmpi ne, %convert_element_type3A, %cond3A : i32
      scf.if %cond3A_383 {
        %sub3A_1088 = arith.constant 2 : i32
        %sub3A_1089 = arith.subi %add3A_381, %sub3A_1088 : i32
        %mul3A_1090 = arith.constant 1024 : i32
        %mul3A_1091 = arith.muli %sub3A_1089, %mul3A_1090 : i32
        %add3A_1092 = arith.addi %mul3A_4, %mul3A_1091 : i32
        %dma_wait3A_1093 = arith.constant 1 : i32
        %dma_wait3A_1094 = arith.constant 0 : i32
        %dma_wait3A_1095 = arith.constant 0 : i32
        %dma_wait3A_1096 = tpu.memref_slice %arg6[%dma_wait3A_1093, %dma_wait3A_1094, %dma_wait3A_1095] : memref<2x1024x32xf32, #tpu.memory_space<vmem>> -> memref<1x1024x32xf32, #tpu.memory_space<vmem>>
        %dma_wait3A_1097 = tpu.memref_squeeze %dma_wait3A_1096 : memref<1x1024x32xf32, #tpu.memory_space<vmem>> -> memref<1024x32xf32, #tpu.memory_space<vmem>>
        %dma_wait3A_1098 = arith.constant 0 : i32
        %dma_wait3A_1099 = tpu.memref_slice %arg4[%add3A_1092, %dma_wait3A_1098] : memref<819200x32xf32, #tpu.memory_space<hbm>> -> memref<1024x32xf32, #tpu.memory_space<hbm>>
        %dma_wait3A_1100 = arith.constant 0 : i32
        %dma_wait3A_1101 = tpu.memref_slice %arg4[%add3A_1092, %dma_wait3A_1100] : memref<819200x32xf32, #tpu.memory_space<hbm>> -> memref<1024x32xf32, #tpu.memory_space<hbm>>
        %dma_wait3A_1102 = arith.constant 0 : i32
        %dma_wait3A_1103 = arith.constant 0 : i32
        %dma_wait3A_1104 = tpu.memref_slice %arg6[%dma_wait3A_1093, %dma_wait3A_1102, %dma_wait3A_1103] : memref<2x1024x32xf32, #tpu.memory_space<vmem>> -> memref<1x1024x32xf32, #tpu.memory_space<vmem>>
        %dma_wait3A_1105 = tpu.memref_squeeze %dma_wait3A_1104 : memref<1x1024x32xf32, #tpu.memory_space<vmem>> -> memref<1024x32xf32, #tpu.memory_space<vmem>>
        tpu.wait_dma2 semaphore(%arg10 : memref<!tpu.dma_semaphore, #tpu.memory_space<semaphore_mem>>) src(%dma_wait3A_1105 : memref<1024x32xf32, #tpu.memory_space<vmem>>) dst(%dma_wait3A_1101 : memref<1024x32xf32, #tpu.memory_space<hbm>>)
      } else {
      }
      %mul3A_384 = arith.constant 8 : i32
      %mul3A_385 = arith.muli %add3A_381, %mul3A_384 : i32
      %add3A_386 = arith.addi %mul3A_2, %mul3A_385 : i32
      %run_scoped3A_387 = arith.constant 1 : i32
      "tpu.region"() ({
        %run_scoped3A_1088 = tpu.sem_alloc : memref<!tpu.dma_semaphore, #tpu.memory_space<semaphore_mem>>
        %dma_start3A_1089 = arith.constant 0 : i32
        %dma_start3A_1090 = arith.constant 0 : i32
        %dma_start3A_1091 = tpu.memref_slice %arg5[%run_scoped3A_387, %dma_start3A_1089, %dma_start3A_1090] : memref<2x8x128xi32, #tpu.memory_space<vmem>> -> memref<1x8x128xi32, #tpu.memory_space<vmem>>
        %dma_start3A_1092 = tpu.memref_squeeze %dma_start3A_1091 : memref<1x8x128xi32, #tpu.memory_space<vmem>> -> memref<8x128xi32, #tpu.memory_space<vmem>>
        %dma_start3A_1093 = arith.constant 0 : i32
        %dma_start3A_1094 = tpu.memref_slice %arg2[%add3A_386, %dma_start3A_1093] : memref<6400x128xi32, #tpu.memory_space<hbm>> -> memref<8x128xi32, #tpu.memory_space<hbm>>
        %dma_start3A_1095 = arith.constant 0 : i32
        %dma_start3A_1096 = arith.constant 0 : i32
        %dma_start3A_1097 = tpu.memref_slice %arg5[%run_scoped3A_387, %dma_start3A_1095, %dma_start3A_1096] : memref<2x8x128xi32, #tpu.memory_space<vmem>> -> memref<1x8x128xi32, #tpu.memory_space<vmem>>
        %dma_start3A_1098 = tpu.memref_squeeze %dma_start3A_1097 : memref<1x8x128xi32, #tpu.memory_space<vmem>> -> memref<8x128xi32, #tpu.memory_space<vmem>>
        %dma_start3A_1099 = arith.constant 0 : i32
        %dma_start3A_1100 = tpu.memref_slice %arg2[%add3A_386, %dma_start3A_1099] : memref<6400x128xi32, #tpu.memory_space<hbm>> -> memref<8x128xi32, #tpu.memory_space<hbm>>
        tpu.enqueue_dma source(%dma_start3A_1100 : memref<8x128xi32, #tpu.memory_space<hbm>>) target(%dma_start3A_1098 : memref<8x128xi32, #tpu.memory_space<vmem>>) target_semaphore(%run_scoped3A_1088 : memref<!tpu.dma_semaphore, #tpu.memory_space<semaphore_mem>>)
        %dma_wait3A_1101 = arith.constant 0 : i32
        %dma_wait3A_1102 = arith.constant 0 : i32
        %dma_wait3A_1103 = tpu.memref_slice %arg5[%run_scoped3A_387, %dma_wait3A_1101, %dma_wait3A_1102] : memref<2x8x128xi32, #tpu.memory_space<vmem>> -> memref<1x8x128xi32, #tpu.memory_space<vmem>>
        %dma_wait3A_1104 = tpu.memref_squeeze %dma_wait3A_1103 : memref<1x8x128xi32, #tpu.memory_space<vmem>> -> memref<8x128xi32, #tpu.memory_space<vmem>>
        %dma_wait3A_1105 = arith.constant 0 : i32
        %dma_wait3A_1106 = tpu.memref_slice %arg2[%add3A_386, %dma_wait3A_1105] : memref<6400x128xi32, #tpu.memory_space<hbm>> -> memref<8x128xi32, #tpu.memory_space<hbm>>
        %dma_wait3A_1107 = arith.constant 0 : i32
        %dma_wait3A_1108 = arith.constant 0 : i32
        %dma_wait3A_1109 = tpu.memref_slice %arg5[%run_scoped3A_387, %dma_wait3A_1107, %dma_wait3A_1108] : memref<2x8x128xi32, #tpu.memory_space<vmem>> -> memref<1x8x128xi32, #tpu.memory_space<vmem>>
        %dma_wait3A_1110 = tpu.memref_squeeze %dma_wait3A_1109 : memref<1x8x128xi32, #tpu.memory_space<vmem>> -> memref<8x128xi32, #tpu.memory_space<vmem>>
        %dma_wait3A_1111 = arith.constant 0 : i32
        %dma_wait3A_1112 = tpu.memref_slice %arg2[%add3A_386, %dma_wait3A_1111] : memref<6400x128xi32, #tpu.memory_space<hbm>> -> memref<8x128xi32, #tpu.memory_space<hbm>>
        tpu.wait_dma2 semaphore(%run_scoped3A_1088 : memref<!tpu.dma_semaphore, #tpu.memory_space<semaphore_mem>>) src(%dma_wait3A_1112 : memref<8x128xi32, #tpu.memory_space<hbm>>) dst(%dma_wait3A_1110 : memref<8x128xi32, #tpu.memory_space<vmem>>)
        tpu.yield
      }) : () -> ()
      %dma_start3A_388 = arith.constant 1 : i32
      %dma_start3A_389 = arith.constant 0 : i32
      %dma_start3A_390 = arith.constant 1 : i32
      %dma_start3A_391 = arith.constant 0 : i32
      %dma_start3A_392 = arith.constant 0 : i32
      %dma_start3A_393 = tpu.memref_slice %arg6[%dma_start3A_390, %dma_start3A_391, %dma_start3A_392] : memref<2x1024x32xf32, #tpu.memory_space<vmem>> -> memref<1x1024x32xf32, #tpu.memory_space<vmem>>
      %dma_start3A_394 = tpu.memref_squeeze %dma_start3A_393 : memref<1x1024x32xf32, #tpu.memory_space<vmem>> -> memref<1024x32xf32, #tpu.memory_space<vmem>>
      %dma_start3A_395 = arith.constant 0 : i32
      %dma_start3A_396 = arith.constant 0 : i32
      %dma_start3A_397 = tpu.memref_slice %dma_start3A_394[%dma_start3A_395, %dma_start3A_396] : memref<1024x32xf32, #tpu.memory_space<vmem>> -> memref<128x32xf32, #tpu.memory_space<vmem>>
      %dma_start3A_398 = arith.constant 0 : i32
      %dma_start3A_399 = arith.constant 0 : i32
      %dma_start3A_400 = tpu.memref_slice %arg5[%dma_start3A_388, %dma_start3A_398, %dma_start3A_399] : memref<2x8x128xi32, #tpu.memory_space<vmem>> -> memref<1x8x128xi32, #tpu.memory_space<vmem>>
      %dma_start3A_401 = tpu.memref_squeeze %dma_start3A_400 : memref<1x8x128xi32, #tpu.memory_space<vmem>> -> memref<8x128xi32, #tpu.memory_space<vmem>>
      %dma_start3A_402 = arith.constant 0 : i32
      %dma_start3A_403 = tpu.memref_slice %dma_start3A_401[%dma_start3A_389, %dma_start3A_402] : memref<8x128xi32, #tpu.memory_space<vmem>> -> memref<1x128xi32, #tpu.memory_space<vmem>>
      %dma_start3A_404 = tpu.memref_squeeze %dma_start3A_403 : memref<1x128xi32, #tpu.memory_space<vmem>> -> memref<128xi32, #tpu.memory_space<vmem>>
      %dma_start3A_405 = arith.constant 0 : i32
      %dma_start3A_406 = arith.constant 0 : i32
      %dma_start3A_407 = tpu.memref_slice %arg3[%dma_start3A_405, %dma_start3A_406] : memref<1000000x32xf32, #tpu.memory_space<hbm>> -> memref<1000000x32xf32, #tpu.memory_space<hbm>>
      tpu.enqueue_indirect_dma source(%dma_start3A_407 : memref<1000000x32xf32, #tpu.memory_space<hbm>>) target(%dma_start3A_397 : memref<128x32xf32, #tpu.memory_space<vmem>>) offsets(%dma_start3A_404 : memref<128xi32, #tpu.memory_space<vmem>>) semaphore(%arg8 : memref<!tpu.dma_semaphore, #tpu.memory_space<semaphore_mem>>)
      %dma_start3A_408 = arith.constant 1 : i32
      %dma_start3A_409 = arith.constant 1 : i32
      %dma_start3A_410 = arith.constant 1 : i32
      %dma_start3A_411 = arith.constant 0 : i32
      %dma_start3A_412 = arith.constant 0 : i32
      %dma_start3A_413 = tpu.memref_slice %arg6[%dma_start3A_410, %dma_start3A_411, %dma_start3A_412] : memref<2x1024x32xf32, #tpu.memory_space<vmem>> -> memref<1x1024x32xf32, #tpu.memory_space<vmem>>
      %dma_start3A_414 = tpu.memref_squeeze %dma_start3A_413 : memref<1x1024x32xf32, #tpu.memory_space<vmem>> -> memref<1024x32xf32, #tpu.memory_space<vmem>>
      %dma_start3A_415 = arith.constant 128 : i32
      %dma_start3A_416 = arith.constant 0 : i32
      %dma_start3A_417 = tpu.memref_slice %dma_start3A_414[%dma_start3A_415, %dma_start3A_416] : memref<1024x32xf32, #tpu.memory_space<vmem>> -> memref<128x32xf32, #tpu.memory_space<vmem>>
      %dma_start3A_418 = arith.constant 0 : i32
      %dma_start3A_419 = arith.constant 0 : i32
      %dma_start3A_420 = tpu.memref_slice %arg5[%dma_start3A_408, %dma_start3A_418, %dma_start3A_419] : memref<2x8x128xi32, #tpu.memory_space<vmem>> -> memref<1x8x128xi32, #tpu.memory_space<vmem>>
      %dma_start3A_421 = tpu.memref_squeeze %dma_start3A_420 : memref<1x8x128xi32, #tpu.memory_space<vmem>> -> memref<8x128xi32, #tpu.memory_space<vmem>>
      %dma_start3A_422 = arith.constant 0 : i32
      %dma_start3A_423 = tpu.memref_slice %dma_start3A_421[%dma_start3A_409, %dma_start3A_422] : memref<8x128xi32, #tpu.memory_space<vmem>> -> memref<1x128xi32, #tpu.memory_space<vmem>>
      %dma_start3A_424 = tpu.memref_squeeze %dma_start3A_423 : memref<1x128xi32, #tpu.memory_space<vmem>> -> memref<128xi32, #tpu.memory_space<vmem>>
      %dma_start3A_425 = arith.constant 0 : i32
      %dma_start3A_426 = arith.constant 0 : i32
      %dma_start3A_427 = tpu.memref_slice %arg3[%dma_start3A_425, %dma_start3A_426] : memref<1000000x32xf32, #tpu.memory_space<hbm>> -> memref<1000000x32xf32, #tpu.memory_space<hbm>>
      tpu.enqueue_indirect_dma source(%dma_start3A_427 : memref<1000000x32xf32, #tpu.memory_space<hbm>>) target(%dma_start3A_417 : memref<128x32xf32, #tpu.memory_space<vmem>>) offsets(%dma_start3A_424 : memref<128xi32, #tpu.memory_space<vmem>>) semaphore(%arg8 : memref<!tpu.dma_semaphore, #tpu.memory_space<semaphore_mem>>)
      %dma_start3A_428 = arith.constant 1 : i32
      %dma_start3A_429 = arith.constant 2 : i32
      %dma_start3A_430 = arith.constant 1 : i32
      %dma_start3A_431 = arith.constant 0 : i32
      %dma_start3A_432 = arith.constant 0 : i32
      %dma_start3A_433 = tpu.memref_slice %arg6[%dma_start3A_430, %dma_start3A_431, %dma_start3A_432] : memref<2x1024x32xf32, #tpu.memory_space<vmem>> -> memref<1x1024x32xf32, #tpu.memory_space<vmem>>
      %dma_start3A_434 = tpu.memref_squeeze %dma_start3A_433 : memref<1x1024x32xf32, #tpu.memory_space<vmem>> -> memref<1024x32xf32, #tpu.memory_space<vmem>>
      %dma_start3A_435 = arith.constant 256 : i32
      %dma_start3A_436 = arith.constant 0 : i32
      %dma_start3A_437 = tpu.memref_slice %dma_start3A_434[%dma_start3A_435, %dma_start3A_436] : memref<1024x32xf32, #tpu.memory_space<vmem>> -> memref<128x32xf32, #tpu.memory_space<vmem>>
      %dma_start3A_438 = arith.constant 0 : i32
      %dma_start3A_439 = arith.constant 0 : i32
      %dma_start3A_440 = tpu.memref_slice %arg5[%dma_start3A_428, %dma_start3A_438, %dma_start3A_439] : memref<2x8x128xi32, #tpu.memory_space<vmem>> -> memref<1x8x128xi32, #tpu.memory_space<vmem>>
      %dma_start3A_441 = tpu.memref_squeeze %dma_start3A_440 : memref<1x8x128xi32, #tpu.memory_space<vmem>> -> memref<8x128xi32, #tpu.memory_space<vmem>>
      %dma_start3A_442 = arith.constant 0 : i32
      %dma_start3A_443 = tpu.memref_slice %dma_start3A_441[%dma_start3A_429, %dma_start3A_442] : memref<8x128xi32, #tpu.memory_space<vmem>> -> memref<1x128xi32, #tpu.memory_space<vmem>>
      %dma_start3A_444 = tpu.memref_squeeze %dma_start3A_443 : memref<1x128xi32, #tpu.memory_space<vmem>> -> memref<128xi32, #tpu.memory_space<vmem>>
      %dma_start3A_445 = arith.constant 0 : i32
      %dma_start3A_446 = arith.constant 0 : i32
      %dma_start3A_447 = tpu.memref_slice %arg3[%dma_start3A_445, %dma_start3A_446] : memref<1000000x32xf32, #tpu.memory_space<hbm>> -> memref<1000000x32xf32, #tpu.memory_space<hbm>>
      tpu.enqueue_indirect_dma source(%dma_start3A_447 : memref<1000000x32xf32, #tpu.memory_space<hbm>>) target(%dma_start3A_437 : memref<128x32xf32, #tpu.memory_space<vmem>>) offsets(%dma_start3A_444 : memref<128xi32, #tpu.memory_space<vmem>>) semaphore(%arg8 : memref<!tpu.dma_semaphore, #tpu.memory_space<semaphore_mem>>)
      %dma_start3A_448 = arith.constant 1 : i32
      %dma_start3A_449 = arith.constant 3 : i32
      %dma_start3A_450 = arith.constant 1 : i32
      %dma_start3A_451 = arith.constant 0 : i32
      %dma_start3A_452 = arith.constant 0 : i32
      %dma_start3A_453 = tpu.memref_slice %arg6[%dma_start3A_450, %dma_start3A_451, %dma_start3A_452] : memref<2x1024x32xf32, #tpu.memory_space<vmem>> -> memref<1x1024x32xf32, #tpu.memory_space<vmem>>
      %dma_start3A_454 = tpu.memref_squeeze %dma_start3A_453 : memref<1x1024x32xf32, #tpu.memory_space<vmem>> -> memref<1024x32xf32, #tpu.memory_space<vmem>>
      %dma_start3A_455 = arith.constant 384 : i32
      %dma_start3A_456 = arith.constant 0 : i32
      %dma_start3A_457 = tpu.memref_slice %dma_start3A_454[%dma_start3A_455, %dma_start3A_456] : memref<1024x32xf32, #tpu.memory_space<vmem>> -> memref<128x32xf32, #tpu.memory_space<vmem>>
      %dma_start3A_458 = arith.constant 0 : i32
      %dma_start3A_459 = arith.constant 0 : i32
      %dma_start3A_460 = tpu.memref_slice %arg5[%dma_start3A_448, %dma_start3A_458, %dma_start3A_459] : memref<2x8x128xi32, #tpu.memory_space<vmem>> -> memref<1x8x128xi32, #tpu.memory_space<vmem>>
      %dma_start3A_461 = tpu.memref_squeeze %dma_start3A_460 : memref<1x8x128xi32, #tpu.memory_space<vmem>> -> memref<8x128xi32, #tpu.memory_space<vmem>>
      %dma_start3A_462 = arith.constant 0 : i32
      %dma_start3A_463 = tpu.memref_slice %dma_start3A_461[%dma_start3A_449, %dma_start3A_462] : memref<8x128xi32, #tpu.memory_space<vmem>> -> memref<1x128xi32, #tpu.memory_space<vmem>>
      %dma_start3A_464 = tpu.memref_squeeze %dma_start3A_463 : memref<1x128xi32, #tpu.memory_space<vmem>> -> memref<128xi32, #tpu.memory_space<vmem>>
      %dma_start3A_465 = arith.constant 0 : i32
      %dma_start3A_466 = arith.constant 0 : i32
      %dma_start3A_467 = tpu.memref_slice %arg3[%dma_start3A_465, %dma_start3A_466] : memref<1000000x32xf32, #tpu.memory_space<hbm>> -> memref<1000000x32xf32, #tpu.memory_space<hbm>>
      tpu.enqueue_indirect_dma source(%dma_start3A_467 : memref<1000000x32xf32, #tpu.memory_space<hbm>>) target(%dma_start3A_457 : memref<128x32xf32, #tpu.memory_space<vmem>>) offsets(%dma_start3A_464 : memref<128xi32, #tpu.memory_space<vmem>>) semaphore(%arg8 : memref<!tpu.dma_semaphore, #tpu.memory_space<semaphore_mem>>)
      %dma_start3A_468 = arith.constant 1 : i32
      %dma_start3A_469 = arith.constant 4 : i32
      %dma_start3A_470 = arith.constant 1 : i32
      %dma_start3A_471 = arith.constant 0 : i32
      %dma_start3A_472 = arith.constant 0 : i32
      %dma_start3A_473 = tpu.memref_slice %arg6[%dma_start3A_470, %dma_start3A_471, %dma_start3A_472] : memref<2x1024x32xf32, #tpu.memory_space<vmem>> -> memref<1x1024x32xf32, #tpu.memory_space<vmem>>
      %dma_start3A_474 = tpu.memref_squeeze %dma_start3A_473 : memref<1x1024x32xf32, #tpu.memory_space<vmem>> -> memref<1024x32xf32, #tpu.memory_space<vmem>>
      %dma_start3A_475 = arith.constant 512 : i32
      %dma_start3A_476 = arith.constant 0 : i32
      %dma_start3A_477 = tpu.memref_slice %dma_start3A_474[%dma_start3A_475, %dma_start3A_476] : memref<1024x32xf32, #tpu.memory_space<vmem>> -> memref<128x32xf32, #tpu.memory_space<vmem>>
      %dma_start3A_478 = arith.constant 0 : i32
      %dma_start3A_479 = arith.constant 0 : i32
      %dma_start3A_480 = tpu.memref_slice %arg5[%dma_start3A_468, %dma_start3A_478, %dma_start3A_479] : memref<2x8x128xi32, #tpu.memory_space<vmem>> -> memref<1x8x128xi32, #tpu.memory_space<vmem>>
      %dma_start3A_481 = tpu.memref_squeeze %dma_start3A_480 : memref<1x8x128xi32, #tpu.memory_space<vmem>> -> memref<8x128xi32, #tpu.memory_space<vmem>>
      %dma_start3A_482 = arith.constant 0 : i32
      %dma_start3A_483 = tpu.memref_slice %dma_start3A_481[%dma_start3A_469, %dma_start3A_482] : memref<8x128xi32, #tpu.memory_space<vmem>> -> memref<1x128xi32, #tpu.memory_space<vmem>>
      %dma_start3A_484 = tpu.memref_squeeze %dma_start3A_483 : memref<1x128xi32, #tpu.memory_space<vmem>> -> memref<128xi32, #tpu.memory_space<vmem>>
      %dma_start3A_485 = arith.constant 0 : i32
      %dma_start3A_486 = arith.constant 0 : i32
      %dma_start3A_487 = tpu.memref_slice %arg3[%dma_start3A_485, %dma_start3A_486] : memref<1000000x32xf32, #tpu.memory_space<hbm>> -> memref<1000000x32xf32, #tpu.memory_space<hbm>>
      tpu.enqueue_indirect_dma source(%dma_start3A_487 : memref<1000000x32xf32, #tpu.memory_space<hbm>>) target(%dma_start3A_477 : memref<128x32xf32, #tpu.memory_space<vmem>>) offsets(%dma_start3A_484 : memref<128xi32, #tpu.memory_space<vmem>>) semaphore(%arg8 : memref<!tpu.dma_semaphore, #tpu.memory_space<semaphore_mem>>)
      %dma_start3A_488 = arith.constant 1 : i32
      %dma_start3A_489 = arith.constant 5 : i32
      %dma_start3A_490 = arith.constant 1 : i32
      %dma_start3A_491 = arith.constant 0 : i32
      %dma_start3A_492 = arith.constant 0 : i32
      %dma_start3A_493 = tpu.memref_slice %arg6[%dma_start3A_490, %dma_start3A_491, %dma_start3A_492] : memref<2x1024x32xf32, #tpu.memory_space<vmem>> -> memref<1x1024x32xf32, #tpu.memory_space<vmem>>
      %dma_start3A_494 = tpu.memref_squeeze %dma_start3A_493 : memref<1x1024x32xf32, #tpu.memory_space<vmem>> -> memref<1024x32xf32, #tpu.memory_space<vmem>>
      %dma_start3A_495 = arith.constant 640 : i32
      %dma_start3A_496 = arith.constant 0 : i32
      %dma_start3A_497 = tpu.memref_slice %dma_start3A_494[%dma_start3A_495, %dma_start3A_496] : memref<1024x32xf32, #tpu.memory_space<vmem>> -> memref<128x32xf32, #tpu.memory_space<vmem>>
      %dma_start3A_498 = arith.constant 0 : i32
      %dma_start3A_499 = arith.constant 0 : i32
      %dma_start3A_500 = tpu.memref_slice %arg5[%dma_start3A_488, %dma_start3A_498, %dma_start3A_499] : memref<2x8x128xi32, #tpu.memory_space<vmem>> -> memref<1x8x128xi32, #tpu.memory_space<vmem>>
      %dma_start3A_501 = tpu.memref_squeeze %dma_start3A_500 : memref<1x8x128xi32, #tpu.memory_space<vmem>> -> memref<8x128xi32, #tpu.memory_space<vmem>>
      %dma_start3A_502 = arith.constant 0 : i32
      %dma_start3A_503 = tpu.memref_slice %dma_start3A_501[%dma_start3A_489, %dma_start3A_502] : memref<8x128xi32, #tpu.memory_space<vmem>> -> memref<1x128xi32, #tpu.memory_space<vmem>>
      %dma_start3A_504 = tpu.memref_squeeze %dma_start3A_503 : memref<1x128xi32, #tpu.memory_space<vmem>> -> memref<128xi32, #tpu.memory_space<vmem>>
      %dma_start3A_505 = arith.constant 0 : i32
      %dma_start3A_506 = arith.constant 0 : i32
      %dma_start3A_507 = tpu.memref_slice %arg3[%dma_start3A_505, %dma_start3A_506] : memref<1000000x32xf32, #tpu.memory_space<hbm>> -> memref<1000000x32xf32, #tpu.memory_space<hbm>>
      tpu.enqueue_indirect_dma source(%dma_start3A_507 : memref<1000000x32xf32, #tpu.memory_space<hbm>>) target(%dma_start3A_497 : memref<128x32xf32, #tpu.memory_space<vmem>>) offsets(%dma_start3A_504 : memref<128xi32, #tpu.memory_space<vmem>>) semaphore(%arg8 : memref<!tpu.dma_semaphore, #tpu.memory_space<semaphore_mem>>)
      %dma_start3A_508 = arith.constant 1 : i32
      %dma_start3A_509 = arith.constant 6 : i32
      %dma_start3A_510 = arith.constant 1 : i32
      %dma_start3A_511 = arith.constant 0 : i32
      %dma_start3A_512 = arith.constant 0 : i32
      %dma_start3A_513 = tpu.memref_slice %arg6[%dma_start3A_510, %dma_start3A_511, %dma_start3A_512] : memref<2x1024x32xf32, #tpu.memory_space<vmem>> -> memref<1x1024x32xf32, #tpu.memory_space<vmem>>
      %dma_start3A_514 = tpu.memref_squeeze %dma_start3A_513 : memref<1x1024x32xf32, #tpu.memory_space<vmem>> -> memref<1024x32xf32, #tpu.memory_space<vmem>>
      %dma_start3A_515 = arith.constant 768 : i32
      %dma_start3A_516 = arith.constant 0 : i32
      %dma_start3A_517 = tpu.memref_slice %dma_start3A_514[%dma_start3A_515, %dma_start3A_516] : memref<1024x32xf32, #tpu.memory_space<vmem>> -> memref<128x32xf32, #tpu.memory_space<vmem>>
      %dma_start3A_518 = arith.constant 0 : i32
      %dma_start3A_519 = arith.constant 0 : i32
      %dma_start3A_520 = tpu.memref_slice %arg5[%dma_start3A_508, %dma_start3A_518, %dma_start3A_519] : memref<2x8x128xi32, #tpu.memory_space<vmem>> -> memref<1x8x128xi32, #tpu.memory_space<vmem>>
      %dma_start3A_521 = tpu.memref_squeeze %dma_start3A_520 : memref<1x8x128xi32, #tpu.memory_space<vmem>> -> memref<8x128xi32, #tpu.memory_space<vmem>>
      %dma_start3A_522 = arith.constant 0 : i32
      %dma_start3A_523 = tpu.memref_slice %dma_start3A_521[%dma_start3A_509, %dma_start3A_522] : memref<8x128xi32, #tpu.memory_space<vmem>> -> memref<1x128xi32, #tpu.memory_space<vmem>>
      %dma_start3A_524 = tpu.memref_squeeze %dma_start3A_523 : memref<1x128xi32, #tpu.memory_space<vmem>> -> memref<128xi32, #tpu.memory_space<vmem>>
      %dma_start3A_525 = arith.constant 0 : i32
      %dma_start3A_526 = arith.constant 0 : i32
      %dma_start3A_527 = tpu.memref_slice %arg3[%dma_start3A_525, %dma_start3A_526] : memref<1000000x32xf32, #tpu.memory_space<hbm>> -> memref<1000000x32xf32, #tpu.memory_space<hbm>>
      tpu.enqueue_indirect_dma source(%dma_start3A_527 : memref<1000000x32xf32, #tpu.memory_space<hbm>>) target(%dma_start3A_517 : memref<128x32xf32, #tpu.memory_space<vmem>>) offsets(%dma_start3A_524 : memref<128xi32, #tpu.memory_space<vmem>>) semaphore(%arg8 : memref<!tpu.dma_semaphore, #tpu.memory_space<semaphore_mem>>)
      %dma_start3A_528 = arith.constant 1 : i32
      %dma_start3A_529 = arith.constant 7 : i32
      %dma_start3A_530 = arith.constant 1 : i32
      %dma_start3A_531 = arith.constant 0 : i32
      %dma_start3A_532 = arith.constant 0 : i32
      %dma_start3A_533 = tpu.memref_slice %arg6[%dma_start3A_530, %dma_start3A_531, %dma_start3A_532] : memref<2x1024x32xf32, #tpu.memory_space<vmem>> -> memref<1x1024x32xf32, #tpu.memory_space<vmem>>
      %dma_start3A_534 = tpu.memref_squeeze %dma_start3A_533 : memref<1x1024x32xf32, #tpu.memory_space<vmem>> -> memref<1024x32xf32, #tpu.memory_space<vmem>>
      %dma_start3A_535 = arith.constant 896 : i32
      %dma_start3A_536 = arith.constant 0 : i32
      %dma_start3A_537 = tpu.memref_slice %dma_start3A_534[%dma_start3A_535, %dma_start3A_536] : memref<1024x32xf32, #tpu.memory_space<vmem>> -> memref<128x32xf32, #tpu.memory_space<vmem>>
      %dma_start3A_538 = arith.constant 0 : i32
      %dma_start3A_539 = arith.constant 0 : i32
      %dma_start3A_540 = tpu.memref_slice %arg5[%dma_start3A_528, %dma_start3A_538, %dma_start3A_539] : memref<2x8x128xi32, #tpu.memory_space<vmem>> -> memref<1x8x128xi32, #tpu.memory_space<vmem>>
      %dma_start3A_541 = tpu.memref_squeeze %dma_start3A_540 : memref<1x8x128xi32, #tpu.memory_space<vmem>> -> memref<8x128xi32, #tpu.memory_space<vmem>>
      %dma_start3A_542 = arith.constant 0 : i32
      %dma_start3A_543 = tpu.memref_slice %dma_start3A_541[%dma_start3A_529, %dma_start3A_542] : memref<8x128xi32, #tpu.memory_space<vmem>> -> memref<1x128xi32, #tpu.memory_space<vmem>>
      %dma_start3A_544 = tpu.memref_squeeze %dma_start3A_543 : memref<1x128xi32, #tpu.memory_space<vmem>> -> memref<128xi32, #tpu.memory_space<vmem>>
      %dma_start3A_545 = arith.constant 0 : i32
      %dma_start3A_546 = arith.constant 0 : i32
      %dma_start3A_547 = tpu.memref_slice %arg3[%dma_start3A_545, %dma_start3A_546] : memref<1000000x32xf32, #tpu.memory_space<hbm>> -> memref<1000000x32xf32, #tpu.memory_space<hbm>>
      tpu.enqueue_indirect_dma source(%dma_start3A_547 : memref<1000000x32xf32, #tpu.memory_space<hbm>>) target(%dma_start3A_537 : memref<128x32xf32, #tpu.memory_space<vmem>>) offsets(%dma_start3A_544 : memref<128xi32, #tpu.memory_space<vmem>>) semaphore(%arg8 : memref<!tpu.dma_semaphore, #tpu.memory_space<semaphore_mem>>)
      %dma_wait3A_548 = arith.constant 0 : i32
      %dma_wait3A_549 = arith.constant 0 : i32
      %dma_wait3A_550 = arith.constant 0 : i32
      %dma_wait3A_551 = arith.constant 0 : i32
      %dma_wait3A_552 = arith.constant 0 : i32
      %dma_wait3A_553 = tpu.memref_slice %arg6[%dma_wait3A_550, %dma_wait3A_551, %dma_wait3A_552] : memref<2x1024x32xf32, #tpu.memory_space<vmem>> -> memref<1x1024x32xf32, #tpu.memory_space<vmem>>
      %dma_wait3A_554 = tpu.memref_squeeze %dma_wait3A_553 : memref<1x1024x32xf32, #tpu.memory_space<vmem>> -> memref<1024x32xf32, #tpu.memory_space<vmem>>
      %dma_wait3A_555 = arith.constant 0 : i32
      %dma_wait3A_556 = arith.constant 0 : i32
      %dma_wait3A_557 = tpu.memref_slice %dma_wait3A_554[%dma_wait3A_555, %dma_wait3A_556] : memref<1024x32xf32, #tpu.memory_space<vmem>> -> memref<128x32xf32, #tpu.memory_space<vmem>>
      %dma_wait3A_558 = arith.constant 0 : i32
      %dma_wait3A_559 = arith.constant 0 : i32
      %dma_wait3A_560 = tpu.memref_slice %arg5[%dma_wait3A_548, %dma_wait3A_558, %dma_wait3A_559] : memref<2x8x128xi32, #tpu.memory_space<vmem>> -> memref<1x8x128xi32, #tpu.memory_space<vmem>>
      %dma_wait3A_561 = tpu.memref_squeeze %dma_wait3A_560 : memref<1x8x128xi32, #tpu.memory_space<vmem>> -> memref<8x128xi32, #tpu.memory_space<vmem>>
      %dma_wait3A_562 = arith.constant 0 : i32
      %dma_wait3A_563 = tpu.memref_slice %dma_wait3A_561[%dma_wait3A_549, %dma_wait3A_562] : memref<8x128xi32, #tpu.memory_space<vmem>> -> memref<1x128xi32, #tpu.memory_space<vmem>>
      %dma_wait3A_564 = tpu.memref_squeeze %dma_wait3A_563 : memref<1x128xi32, #tpu.memory_space<vmem>> -> memref<128xi32, #tpu.memory_space<vmem>>
      %dma_wait3A_565 = arith.constant 0 : i32
      %dma_wait3A_566 = arith.constant 0 : i32
      %dma_wait3A_567 = tpu.memref_slice %arg3[%dma_wait3A_565, %dma_wait3A_566] : memref<1000000x32xf32, #tpu.memory_space<hbm>> -> memref<1000000x32xf32, #tpu.memory_space<hbm>>
      tpu.wait_indirect_dma semaphore(%arg7 : memref<!tpu.dma_semaphore, #tpu.memory_space<semaphore_mem>>) src(%dma_wait3A_567 : memref<1000000x32xf32, #tpu.memory_space<hbm>>) dst(%dma_wait3A_557 : memref<128x32xf32, #tpu.memory_space<vmem>>)
      %dma_wait3A_568 = arith.constant 0 : i32
      %dma_wait3A_569 = arith.constant 1 : i32
      %dma_wait3A_570 = arith.constant 0 : i32
      %dma_wait3A_571 = arith.constant 0 : i32
      %dma_wait3A_572 = arith.constant 0 : i32
      %dma_wait3A_573 = tpu.memref_slice %arg6[%dma_wait3A_570, %dma_wait3A_571, %dma_wait3A_572] : memref<2x1024x32xf32, #tpu.memory_space<vmem>> -> memref<1x1024x32xf32, #tpu.memory_space<vmem>>
      %dma_wait3A_574 = tpu.memref_squeeze %dma_wait3A_573 : memref<1x1024x32xf32, #tpu.memory_space<vmem>> -> memref<1024x32xf32, #tpu.memory_space<vmem>>
      %dma_wait3A_575 = arith.constant 128 : i32
      %dma_wait3A_576 = arith.constant 0 : i32
      %dma_wait3A_577 = tpu.memref_slice %dma_wait3A_574[%dma_wait3A_575, %dma_wait3A_576] : memref<1024x32xf32, #tpu.memory_space<vmem>> -> memref<128x32xf32, #tpu.memory_space<vmem>>
      %dma_wait3A_578 = arith.constant 0 : i32
      %dma_wait3A_579 = arith.constant 0 : i32
      %dma_wait3A_580 = tpu.memref_slice %arg5[%dma_wait3A_568, %dma_wait3A_578, %dma_wait3A_579] : memref<2x8x128xi32, #tpu.memory_space<vmem>> -> memref<1x8x128xi32, #tpu.memory_space<vmem>>
      %dma_wait3A_581 = tpu.memref_squeeze %dma_wait3A_580 : memref<1x8x128xi32, #tpu.memory_space<vmem>> -> memref<8x128xi32, #tpu.memory_space<vmem>>
      %dma_wait3A_582 = arith.constant 0 : i32
      %dma_wait3A_583 = tpu.memref_slice %dma_wait3A_581[%dma_wait3A_569, %dma_wait3A_582] : memref<8x128xi32, #tpu.memory_space<vmem>> -> memref<1x128xi32, #tpu.memory_space<vmem>>
      %dma_wait3A_584 = tpu.memref_squeeze %dma_wait3A_583 : memref<1x128xi32, #tpu.memory_space<vmem>> -> memref<128xi32, #tpu.memory_space<vmem>>
      %dma_wait3A_585 = arith.constant 0 : i32
      %dma_wait3A_586 = arith.constant 0 : i32
      %dma_wait3A_587 = tpu.memref_slice %arg3[%dma_wait3A_585, %dma_wait3A_586] : memref<1000000x32xf32, #tpu.memory_space<hbm>> -> memref<1000000x32xf32, #tpu.memory_space<hbm>>
      tpu.wait_indirect_dma semaphore(%arg7 : memref<!tpu.dma_semaphore, #tpu.memory_space<semaphore_mem>>) src(%dma_wait3A_587 : memref<1000000x32xf32, #tpu.memory_space<hbm>>) dst(%dma_wait3A_577 : memref<128x32xf32, #tpu.memory_space<vmem>>)
      %dma_wait3A_588 = arith.constant 0 : i32
      %dma_wait3A_589 = arith.constant 2 : i32
      %dma_wait3A_590 = arith.constant 0 : i32
      %dma_wait3A_591 = arith.constant 0 : i32
      %dma_wait3A_592 = arith.constant 0 : i32
      %dma_wait3A_593 = tpu.memref_slice %arg6[%dma_wait3A_590, %dma_wait3A_591, %dma_wait3A_592] : memref<2x1024x32xf32, #tpu.memory_space<vmem>> -> memref<1x1024x32xf32, #tpu.memory_space<vmem>>
      %dma_wait3A_594 = tpu.memref_squeeze %dma_wait3A_593 : memref<1x1024x32xf32, #tpu.memory_space<vmem>> -> memref<1024x32xf32, #tpu.memory_space<vmem>>
      %dma_wait3A_595 = arith.constant 256 : i32
      %dma_wait3A_596 = arith.constant 0 : i32
      %dma_wait3A_597 = tpu.memref_slice %dma_wait3A_594[%dma_wait3A_595, %dma_wait3A_596] : memref<1024x32xf32, #tpu.memory_space<vmem>> -> memref<128x32xf32, #tpu.memory_space<vmem>>
      %dma_wait3A_598 = arith.constant 0 : i32
      %dma_wait3A_599 = arith.constant 0 : i32
      %dma_wait3A_600 = tpu.memref_slice %arg5[%dma_wait3A_588, %dma_wait3A_598, %dma_wait3A_599] : memref<2x8x128xi32, #tpu.memory_space<vmem>> -> memref<1x8x128xi32, #tpu.memory_space<vmem>>
      %dma_wait3A_601 = tpu.memref_squeeze %dma_wait3A_600 : memref<1x8x128xi32, #tpu.memory_space<vmem>> -> memref<8x128xi32, #tpu.memory_space<vmem>>
      %dma_wait3A_602 = arith.constant 0 : i32
      %dma_wait3A_603 = tpu.memref_slice %dma_wait3A_601[%dma_wait3A_589, %dma_wait3A_602] : memref<8x128xi32, #tpu.memory_space<vmem>> -> memref<1x128xi32, #tpu.memory_space<vmem>>
      %dma_wait3A_604 = tpu.memref_squeeze %dma_wait3A_603 : memref<1x128xi32, #tpu.memory_space<vmem>> -> memref<128xi32, #tpu.memory_space<vmem>>
      %dma_wait3A_605 = arith.constant 0 : i32
      %dma_wait3A_606 = arith.constant 0 : i32
      %dma_wait3A_607 = tpu.memref_slice %arg3[%dma_wait3A_605, %dma_wait3A_606] : memref<1000000x32xf32, #tpu.memory_space<hbm>> -> memref<1000000x32xf32, #tpu.memory_space<hbm>>
      tpu.wait_indirect_dma semaphore(%arg7 : memref<!tpu.dma_semaphore, #tpu.memory_space<semaphore_mem>>) src(%dma_wait3A_607 : memref<1000000x32xf32, #tpu.memory_space<hbm>>) dst(%dma_wait3A_597 : memref<128x32xf32, #tpu.memory_space<vmem>>)
      %dma_wait3A_608 = arith.constant 0 : i32
      %dma_wait3A_609 = arith.constant 3 : i32
      %dma_wait3A_610 = arith.constant 0 : i32
      %dma_wait3A_611 = arith.constant 0 : i32
      %dma_wait3A_612 = arith.constant 0 : i32
      %dma_wait3A_613 = tpu.memref_slice %arg6[%dma_wait3A_610, %dma_wait3A_611, %dma_wait3A_612] : memref<2x1024x32xf32, #tpu.memory_space<vmem>> -> memref<1x1024x32xf32, #tpu.memory_space<vmem>>
      %dma_wait3A_614 = tpu.memref_squeeze %dma_wait3A_613 : memref<1x1024x32xf32, #tpu.memory_space<vmem>> -> memref<1024x32xf32, #tpu.memory_space<vmem>>
      %dma_wait3A_615 = arith.constant 384 : i32
      %dma_wait3A_616 = arith.constant 0 : i32
      %dma_wait3A_617 = tpu.memref_slice %dma_wait3A_614[%dma_wait3A_615, %dma_wait3A_616] : memref<1024x32xf32, #tpu.memory_space<vmem>> -> memref<128x32xf32, #tpu.memory_space<vmem>>
      %dma_wait3A_618 = arith.constant 0 : i32
      %dma_wait3A_619 = arith.constant 0 : i32
      %dma_wait3A_620 = tpu.memref_slice %arg5[%dma_wait3A_608, %dma_wait3A_618, %dma_wait3A_619] : memref<2x8x128xi32, #tpu.memory_space<vmem>> -> memref<1x8x128xi32, #tpu.memory_space<vmem>>
      %dma_wait3A_621 = tpu.memref_squeeze %dma_wait3A_620 : memref<1x8x128xi32, #tpu.memory_space<vmem>> -> memref<8x128xi32, #tpu.memory_space<vmem>>
      %dma_wait3A_622 = arith.constant 0 : i32
      %dma_wait3A_623 = tpu.memref_slice %dma_wait3A_621[%dma_wait3A_609, %dma_wait3A_622] : memref<8x128xi32, #tpu.memory_space<vmem>> -> memref<1x128xi32, #tpu.memory_space<vmem>>
      %dma_wait3A_624 = tpu.memref_squeeze %dma_wait3A_623 : memref<1x128xi32, #tpu.memory_space<vmem>> -> memref<128xi32, #tpu.memory_space<vmem>>
      %dma_wait3A_625 = arith.constant 0 : i32
      %dma_wait3A_626 = arith.constant 0 : i32
      %dma_wait3A_627 = tpu.memref_slice %arg3[%dma_wait3A_625, %dma_wait3A_626] : memref<1000000x32xf32, #tpu.memory_space<hbm>> -> memref<1000000x32xf32, #tpu.memory_space<hbm>>
      tpu.wait_indirect_dma semaphore(%arg7 : memref<!tpu.dma_semaphore, #tpu.memory_space<semaphore_mem>>) src(%dma_wait3A_627 : memref<1000000x32xf32, #tpu.memory_space<hbm>>) dst(%dma_wait3A_617 : memref<128x32xf32, #tpu.memory_space<vmem>>)
      %dma_wait3A_628 = arith.constant 0 : i32
      %dma_wait3A_629 = arith.constant 4 : i32
      %dma_wait3A_630 = arith.constant 0 : i32
      %dma_wait3A_631 = arith.constant 0 : i32
      %dma_wait3A_632 = arith.constant 0 : i32
      %dma_wait3A_633 = tpu.memref_slice %arg6[%dma_wait3A_630, %dma_wait3A_631, %dma_wait3A_632] : memref<2x1024x32xf32, #tpu.memory_space<vmem>> -> memref<1x1024x32xf32, #tpu.memory_space<vmem>>
      %dma_wait3A_634 = tpu.memref_squeeze %dma_wait3A_633 : memref<1x1024x32xf32, #tpu.memory_space<vmem>> -> memref<1024x32xf32, #tpu.memory_space<vmem>>
      %dma_wait3A_635 = arith.constant 512 : i32
      %dma_wait3A_636 = arith.constant 0 : i32
      %dma_wait3A_637 = tpu.memref_slice %dma_wait3A_634[%dma_wait3A_635, %dma_wait3A_636] : memref<1024x32xf32, #tpu.memory_space<vmem>> -> memref<128x32xf32, #tpu.memory_space<vmem>>
      %dma_wait3A_638 = arith.constant 0 : i32
      %dma_wait3A_639 = arith.constant 0 : i32
      %dma_wait3A_640 = tpu.memref_slice %arg5[%dma_wait3A_628, %dma_wait3A_638, %dma_wait3A_639] : memref<2x8x128xi32, #tpu.memory_space<vmem>> -> memref<1x8x128xi32, #tpu.memory_space<vmem>>
      %dma_wait3A_641 = tpu.memref_squeeze %dma_wait3A_640 : memref<1x8x128xi32, #tpu.memory_space<vmem>> -> memref<8x128xi32, #tpu.memory_space<vmem>>
      %dma_wait3A_642 = arith.constant 0 : i32
      %dma_wait3A_643 = tpu.memref_slice %dma_wait3A_641[%dma_wait3A_629, %dma_wait3A_642] : memref<8x128xi32, #tpu.memory_space<vmem>> -> memref<1x128xi32, #tpu.memory_space<vmem>>
      %dma_wait3A_644 = tpu.memref_squeeze %dma_wait3A_643 : memref<1x128xi32, #tpu.memory_space<vmem>> -> memref<128xi32, #tpu.memory_space<vmem>>
      %dma_wait3A_645 = arith.constant 0 : i32
      %dma_wait3A_646 = arith.constant 0 : i32
      %dma_wait3A_647 = tpu.memref_slice %arg3[%dma_wait3A_645, %dma_wait3A_646] : memref<1000000x32xf32, #tpu.memory_space<hbm>> -> memref<1000000x32xf32, #tpu.memory_space<hbm>>
      tpu.wait_indirect_dma semaphore(%arg7 : memref<!tpu.dma_semaphore, #tpu.memory_space<semaphore_mem>>) src(%dma_wait3A_647 : memref<1000000x32xf32, #tpu.memory_space<hbm>>) dst(%dma_wait3A_637 : memref<128x32xf32, #tpu.memory_space<vmem>>)
      %dma_wait3A_648 = arith.constant 0 : i32
      %dma_wait3A_649 = arith.constant 5 : i32
      %dma_wait3A_650 = arith.constant 0 : i32
      %dma_wait3A_651 = arith.constant 0 : i32
      %dma_wait3A_652 = arith.constant 0 : i32
      %dma_wait3A_653 = tpu.memref_slice %arg6[%dma_wait3A_650, %dma_wait3A_651, %dma_wait3A_652] : memref<2x1024x32xf32, #tpu.memory_space<vmem>> -> memref<1x1024x32xf32, #tpu.memory_space<vmem>>
      %dma_wait3A_654 = tpu.memref_squeeze %dma_wait3A_653 : memref<1x1024x32xf32, #tpu.memory_space<vmem>> -> memref<1024x32xf32, #tpu.memory_space<vmem>>
      %dma_wait3A_655 = arith.constant 640 : i32
      %dma_wait3A_656 = arith.constant 0 : i32
      %dma_wait3A_657 = tpu.memref_slice %dma_wait3A_654[%dma_wait3A_655, %dma_wait3A_656] : memref<1024x32xf32, #tpu.memory_space<vmem>> -> memref<128x32xf32, #tpu.memory_space<vmem>>
      %dma_wait3A_658 = arith.constant 0 : i32
      %dma_wait3A_659 = arith.constant 0 : i32
      %dma_wait3A_660 = tpu.memref_slice %arg5[%dma_wait3A_648, %dma_wait3A_658, %dma_wait3A_659] : memref<2x8x128xi32, #tpu.memory_space<vmem>> -> memref<1x8x128xi32, #tpu.memory_space<vmem>>
      %dma_wait3A_661 = tpu.memref_squeeze %dma_wait3A_660 : memref<1x8x128xi32, #tpu.memory_space<vmem>> -> memref<8x128xi32, #tpu.memory_space<vmem>>
      %dma_wait3A_662 = arith.constant 0 : i32
      %dma_wait3A_663 = tpu.memref_slice %dma_wait3A_661[%dma_wait3A_649, %dma_wait3A_662] : memref<8x128xi32, #tpu.memory_space<vmem>> -> memref<1x128xi32, #tpu.memory_space<vmem>>
      %dma_wait3A_664 = tpu.memref_squeeze %dma_wait3A_663 : memref<1x128xi32, #tpu.memory_space<vmem>> -> memref<128xi32, #tpu.memory_space<vmem>>
      %dma_wait3A_665 = arith.constant 0 : i32
      %dma_wait3A_666 = arith.constant 0 : i32
      %dma_wait3A_667 = tpu.memref_slice %arg3[%dma_wait3A_665, %dma_wait3A_666] : memref<1000000x32xf32, #tpu.memory_space<hbm>> -> memref<1000000x32xf32, #tpu.memory_space<hbm>>
      tpu.wait_indirect_dma semaphore(%arg7 : memref<!tpu.dma_semaphore, #tpu.memory_space<semaphore_mem>>) src(%dma_wait3A_667 : memref<1000000x32xf32, #tpu.memory_space<hbm>>) dst(%dma_wait3A_657 : memref<128x32xf32, #tpu.memory_space<vmem>>)
      %dma_wait3A_668 = arith.constant 0 : i32
      %dma_wait3A_669 = arith.constant 6 : i32
      %dma_wait3A_670 = arith.constant 0 : i32
      %dma_wait3A_671 = arith.constant 0 : i32
      %dma_wait3A_672 = arith.constant 0 : i32
      %dma_wait3A_673 = tpu.memref_slice %arg6[%dma_wait3A_670, %dma_wait3A_671, %dma_wait3A_672] : memref<2x1024x32xf32, #tpu.memory_space<vmem>> -> memref<1x1024x32xf32, #tpu.memory_space<vmem>>
      %dma_wait3A_674 = tpu.memref_squeeze %dma_wait3A_673 : memref<1x1024x32xf32, #tpu.memory_space<vmem>> -> memref<1024x32xf32, #tpu.memory_space<vmem>>
      %dma_wait3A_675 = arith.constant 768 : i32
      %dma_wait3A_676 = arith.constant 0 : i32
      %dma_wait3A_677 = tpu.memref_slice %dma_wait3A_674[%dma_wait3A_675, %dma_wait3A_676] : memref<1024x32xf32, #tpu.memory_space<vmem>> -> memref<128x32xf32, #tpu.memory_space<vmem>>
      %dma_wait3A_678 = arith.constant 0 : i32
      %dma_wait3A_679 = arith.constant 0 : i32
      %dma_wait3A_680 = tpu.memref_slice %arg5[%dma_wait3A_668, %dma_wait3A_678, %dma_wait3A_679] : memref<2x8x128xi32, #tpu.memory_space<vmem>> -> memref<1x8x128xi32, #tpu.memory_space<vmem>>
      %dma_wait3A_681 = tpu.memref_squeeze %dma_wait3A_680 : memref<1x8x128xi32, #tpu.memory_space<vmem>> -> memref<8x128xi32, #tpu.memory_space<vmem>>
      %dma_wait3A_682 = arith.constant 0 : i32
      %dma_wait3A_683 = tpu.memref_slice %dma_wait3A_681[%dma_wait3A_669, %dma_wait3A_682] : memref<8x128xi32, #tpu.memory_space<vmem>> -> memref<1x128xi32, #tpu.memory_space<vmem>>
      %dma_wait3A_684 = tpu.memref_squeeze %dma_wait3A_683 : memref<1x128xi32, #tpu.memory_space<vmem>> -> memref<128xi32, #tpu.memory_space<vmem>>
      %dma_wait3A_685 = arith.constant 0 : i32
      %dma_wait3A_686 = arith.constant 0 : i32
      %dma_wait3A_687 = tpu.memref_slice %arg3[%dma_wait3A_685, %dma_wait3A_686] : memref<1000000x32xf32, #tpu.memory_space<hbm>> -> memref<1000000x32xf32, #tpu.memory_space<hbm>>
      tpu.wait_indirect_dma semaphore(%arg7 : memref<!tpu.dma_semaphore, #tpu.memory_space<semaphore_mem>>) src(%dma_wait3A_687 : memref<1000000x32xf32, #tpu.memory_space<hbm>>) dst(%dma_wait3A_677 : memref<128x32xf32, #tpu.memory_space<vmem>>)
      %dma_wait3A_688 = arith.constant 0 : i32
      %dma_wait3A_689 = arith.constant 7 : i32
      %dma_wait3A_690 = arith.constant 0 : i32
      %dma_wait3A_691 = arith.constant 0 : i32
      %dma_wait3A_692 = arith.constant 0 : i32
      %dma_wait3A_693 = tpu.memref_slice %arg6[%dma_wait3A_690, %dma_wait3A_691, %dma_wait3A_692] : memref<2x1024x32xf32, #tpu.memory_space<vmem>> -> memref<1x1024x32xf32, #tpu.memory_space<vmem>>
      %dma_wait3A_694 = tpu.memref_squeeze %dma_wait3A_693 : memref<1x1024x32xf32, #tpu.memory_space<vmem>> -> memref<1024x32xf32, #tpu.memory_space<vmem>>
      %dma_wait3A_695 = arith.constant 896 : i32
      %dma_wait3A_696 = arith.constant 0 : i32
      %dma_wait3A_697 = tpu.memref_slice %dma_wait3A_694[%dma_wait3A_695, %dma_wait3A_696] : memref<1024x32xf32, #tpu.memory_space<vmem>> -> memref<128x32xf32, #tpu.memory_space<vmem>>
      %dma_wait3A_698 = arith.constant 0 : i32
      %dma_wait3A_699 = arith.constant 0 : i32
      %dma_wait3A_700 = tpu.memref_slice %arg5[%dma_wait3A_688, %dma_wait3A_698, %dma_wait3A_699] : memref<2x8x128xi32, #tpu.memory_space<vmem>> -> memref<1x8x128xi32, #tpu.memory_space<vmem>>
      %dma_wait3A_701 = tpu.memref_squeeze %dma_wait3A_700 : memref<1x8x128xi32, #tpu.memory_space<vmem>> -> memref<8x128xi32, #tpu.memory_space<vmem>>
      %dma_wait3A_702 = arith.constant 0 : i32
      %dma_wait3A_703 = tpu.memref_slice %dma_wait3A_701[%dma_wait3A_689, %dma_wait3A_702] : memref<8x128xi32, #tpu.memory_space<vmem>> -> memref<1x128xi32, #tpu.memory_space<vmem>>
      %dma_wait3A_704 = tpu.memref_squeeze %dma_wait3A_703 : memref<1x128xi32, #tpu.memory_space<vmem>> -> memref<128xi32, #tpu.memory_space<vmem>>
      %dma_wait3A_705 = arith.constant 0 : i32
      %dma_wait3A_706 = arith.constant 0 : i32
      %dma_wait3A_707 = tpu.memref_slice %arg3[%dma_wait3A_705, %dma_wait3A_706] : memref<1000000x32xf32, #tpu.memory_space<hbm>> -> memref<1000000x32xf32, #tpu.memory_space<hbm>>
      tpu.wait_indirect_dma semaphore(%arg7 : memref<!tpu.dma_semaphore, #tpu.memory_space<semaphore_mem>>) src(%dma_wait3A_707 : memref<1000000x32xf32, #tpu.memory_space<hbm>>) dst(%dma_wait3A_697 : memref<128x32xf32, #tpu.memory_space<vmem>>)
      %sub3A = arith.constant 1 : i32
      %sub3A_708 = arith.subi %add3A_381, %sub3A : i32
      %mul3A_709 = arith.constant 1024 : i32
      %mul3A_710 = arith.muli %sub3A_708, %mul3A_709 : i32
      %add3A_711 = arith.addi %mul3A_4, %mul3A_710 : i32
      %dma_start3A_712 = arith.constant 0 : i32
      %dma_start3A_713 = arith.constant 0 : i32
      %dma_start3A_714 = arith.constant 0 : i32
      %dma_start3A_715 = tpu.memref_slice %arg6[%dma_start3A_712, %dma_start3A_713, %dma_start3A_714] : memref<2x1024x32xf32, #tpu.memory_space<vmem>> -> memref<1x1024x32xf32, #tpu.memory_space<vmem>>
      %dma_start3A_716 = tpu.memref_squeeze %dma_start3A_715 : memref<1x1024x32xf32, #tpu.memory_space<vmem>> -> memref<1024x32xf32, #tpu.memory_space<vmem>>
      %dma_start3A_717 = arith.constant 0 : i32
      %dma_start3A_718 = tpu.memref_slice %arg4[%add3A_711, %dma_start3A_717] : memref<819200x32xf32, #tpu.memory_space<hbm>> -> memref<1024x32xf32, #tpu.memory_space<hbm>>
      %dma_start3A_719 = arith.constant 0 : i32
      %dma_start3A_720 = tpu.memref_slice %arg4[%add3A_711, %dma_start3A_719] : memref<819200x32xf32, #tpu.memory_space<hbm>> -> memref<1024x32xf32, #tpu.memory_space<hbm>>
      %dma_start3A_721 = arith.constant 0 : i32
      %dma_start3A_722 = arith.constant 0 : i32
      %dma_start3A_723 = tpu.memref_slice %arg6[%dma_start3A_712, %dma_start3A_721, %dma_start3A_722] : memref<2x1024x32xf32, #tpu.memory_space<vmem>> -> memref<1x1024x32xf32, #tpu.memory_space<vmem>>
      %dma_start3A_724 = tpu.memref_squeeze %dma_start3A_723 : memref<1x1024x32xf32, #tpu.memory_space<vmem>> -> memref<1024x32xf32, #tpu.memory_space<vmem>>
      tpu.enqueue_dma source(%dma_start3A_724 : memref<1024x32xf32, #tpu.memory_space<vmem>>) target(%dma_start3A_720 : memref<1024x32xf32, #tpu.memory_space<hbm>>) target_semaphore(%arg9 : memref<!tpu.dma_semaphore, #tpu.memory_space<semaphore_mem>>)
      %add3A_725 = arith.constant 1 : i32
      %add3A_726 = arith.addi %add3A_381, %add3A_725 : i32
      %sub3A_727 = arith.constant 2 : i32
      %sub3A_728 = arith.subi %add3A_726, %sub3A_727 : i32
      %mul3A_729 = arith.constant 1024 : i32
      %mul3A_730 = arith.muli %sub3A_728, %mul3A_729 : i32
      %add3A_731 = arith.addi %mul3A_4, %mul3A_730 : i32
      %dma_wait3A_732 = arith.constant 0 : i32
      %dma_wait3A_733 = arith.constant 0 : i32
      %dma_wait3A_734 = arith.constant 0 : i32
      %dma_wait3A_735 = tpu.memref_slice %arg6[%dma_wait3A_732, %dma_wait3A_733, %dma_wait3A_734] : memref<2x1024x32xf32, #tpu.memory_space<vmem>> -> memref<1x1024x32xf32, #tpu.memory_space<vmem>>
      %dma_wait3A_736 = tpu.memref_squeeze %dma_wait3A_735 : memref<1x1024x32xf32, #tpu.memory_space<vmem>> -> memref<1024x32xf32, #tpu.memory_space<vmem>>
      %dma_wait3A_737 = arith.constant 0 : i32
      %dma_wait3A_738 = tpu.memref_slice %arg4[%add3A_731, %dma_wait3A_737] : memref<819200x32xf32, #tpu.memory_space<hbm>> -> memref<1024x32xf32, #tpu.memory_space<hbm>>
      %dma_wait3A_739 = arith.constant 0 : i32
      %dma_wait3A_740 = tpu.memref_slice %arg4[%add3A_731, %dma_wait3A_739] : memref<819200x32xf32, #tpu.memory_space<hbm>> -> memref<1024x32xf32, #tpu.memory_space<hbm>>
      %dma_wait3A_741 = arith.constant 0 : i32
      %dma_wait3A_742 = arith.constant 0 : i32
      %dma_wait3A_743 = tpu.memref_slice %arg6[%dma_wait3A_732, %dma_wait3A_741, %dma_wait3A_742] : memref<2x1024x32xf32, #tpu.memory_space<vmem>> -> memref<1x1024x32xf32, #tpu.memory_space<vmem>>
      %dma_wait3A_744 = tpu.memref_squeeze %dma_wait3A_743 : memref<1x1024x32xf32, #tpu.memory_space<vmem>> -> memref<1024x32xf32, #tpu.memory_space<vmem>>
      tpu.wait_dma2 semaphore(%arg9 : memref<!tpu.dma_semaphore, #tpu.memory_space<semaphore_mem>>) src(%dma_wait3A_744 : memref<1024x32xf32, #tpu.memory_space<vmem>>) dst(%dma_wait3A_740 : memref<1024x32xf32, #tpu.memory_space<hbm>>)
      %mul3A_745 = arith.constant 8 : i32
      %mul3A_746 = arith.muli %add3A_726, %mul3A_745 : i32
      %add3A_747 = arith.addi %mul3A_2, %mul3A_746 : i32
      %run_scoped3A_748 = arith.constant 0 : i32
      "tpu.region"() ({
        %run_scoped3A_1088 = tpu.sem_alloc : memref<!tpu.dma_semaphore, #tpu.memory_space<semaphore_mem>>
        %dma_start3A_1089 = arith.constant 0 : i32
        %dma_start3A_1090 = arith.constant 0 : i32
        %dma_start3A_1091 = tpu.memref_slice %arg5[%run_scoped3A_748, %dma_start3A_1089, %dma_start3A_1090] : memref<2x8x128xi32, #tpu.memory_space<vmem>> -> memref<1x8x128xi32, #tpu.memory_space<vmem>>
        %dma_start3A_1092 = tpu.memref_squeeze %dma_start3A_1091 : memref<1x8x128xi32, #tpu.memory_space<vmem>> -> memref<8x128xi32, #tpu.memory_space<vmem>>
        %dma_start3A_1093 = arith.constant 0 : i32
        %dma_start3A_1094 = tpu.memref_slice %arg2[%add3A_747, %dma_start3A_1093] : memref<6400x128xi32, #tpu.memory_space<hbm>> -> memref<8x128xi32, #tpu.memory_space<hbm>>
        %dma_start3A_1095 = arith.constant 0 : i32
        %dma_start3A_1096 = arith.constant 0 : i32
        %dma_start3A_1097 = tpu.memref_slice %arg5[%run_scoped3A_748, %dma_start3A_1095, %dma_start3A_1096] : memref<2x8x128xi32, #tpu.memory_space<vmem>> -> memref<1x8x128xi32, #tpu.memory_space<vmem>>
        %dma_start3A_1098 = tpu.memref_squeeze %dma_start3A_1097 : memref<1x8x128xi32, #tpu.memory_space<vmem>> -> memref<8x128xi32, #tpu.memory_space<vmem>>
        %dma_start3A_1099 = arith.constant 0 : i32
        %dma_start3A_1100 = tpu.memref_slice %arg2[%add3A_747, %dma_start3A_1099] : memref<6400x128xi32, #tpu.memory_space<hbm>> -> memref<8x128xi32, #tpu.memory_space<hbm>>
        tpu.enqueue_dma source(%dma_start3A_1100 : memref<8x128xi32, #tpu.memory_space<hbm>>) target(%dma_start3A_1098 : memref<8x128xi32, #tpu.memory_space<vmem>>) target_semaphore(%run_scoped3A_1088 : memref<!tpu.dma_semaphore, #tpu.memory_space<semaphore_mem>>)
        %dma_wait3A_1101 = arith.constant 0 : i32
        %dma_wait3A_1102 = arith.constant 0 : i32
        %dma_wait3A_1103 = tpu.memref_slice %arg5[%run_scoped3A_748, %dma_wait3A_1101, %dma_wait3A_1102] : memref<2x8x128xi32, #tpu.memory_space<vmem>> -> memref<1x8x128xi32, #tpu.memory_space<vmem>>
        %dma_wait3A_1104 = tpu.memref_squeeze %dma_wait3A_1103 : memref<1x8x128xi32, #tpu.memory_space<vmem>> -> memref<8x128xi32, #tpu.memory_space<vmem>>
        %dma_wait3A_1105 = arith.constant 0 : i32
        %dma_wait3A_1106 = tpu.memref_slice %arg2[%add3A_747, %dma_wait3A_1105] : memref<6400x128xi32, #tpu.memory_space<hbm>> -> memref<8x128xi32, #tpu.memory_space<hbm>>
        %dma_wait3A_1107 = arith.constant 0 : i32
        %dma_wait3A_1108 = arith.constant 0 : i32
        %dma_wait3A_1109 = tpu.memref_slice %arg5[%run_scoped3A_748, %dma_wait3A_1107, %dma_wait3A_1108] : memref<2x8x128xi32, #tpu.memory_space<vmem>> -> memref<1x8x128xi32, #tpu.memory_space<vmem>>
        %dma_wait3A_1110 = tpu.memref_squeeze %dma_wait3A_1109 : memref<1x8x128xi32, #tpu.memory_space<vmem>> -> memref<8x128xi32, #tpu.memory_space<vmem>>
        %dma_wait3A_1111 = arith.constant 0 : i32
        %dma_wait3A_1112 = tpu.memref_slice %arg2[%add3A_747, %dma_wait3A_1111] : memref<6400x128xi32, #tpu.memory_space<hbm>> -> memref<8x128xi32, #tpu.memory_space<hbm>>
        tpu.wait_dma2 semaphore(%run_scoped3A_1088 : memref<!tpu.dma_semaphore, #tpu.memory_space<semaphore_mem>>) src(%dma_wait3A_1112 : memref<8x128xi32, #tpu.memory_space<hbm>>) dst(%dma_wait3A_1110 : memref<8x128xi32, #tpu.memory_space<vmem>>)
        tpu.yield
      }) : () -> ()
      %dma_start3A_749 = arith.constant 0 : i32
      %dma_start3A_750 = arith.constant 0 : i32
      %dma_start3A_751 = arith.constant 0 : i32
      %dma_start3A_752 = arith.constant 0 : i32
      %dma_start3A_753 = arith.constant 0 : i32
      %dma_start3A_754 = tpu.memref_slice %arg6[%dma_start3A_751, %dma_start3A_752, %dma_start3A_753] : memref<2x1024x32xf32, #tpu.memory_space<vmem>> -> memref<1x1024x32xf32, #tpu.memory_space<vmem>>
      %dma_start3A_755 = tpu.memref_squeeze %dma_start3A_754 : memref<1x1024x32xf32, #tpu.memory_space<vmem>> -> memref<1024x32xf32, #tpu.memory_space<vmem>>
      %dma_start3A_756 = arith.constant 0 : i32
      %dma_start3A_757 = arith.constant 0 : i32
      %dma_start3A_758 = tpu.memref_slice %dma_start3A_755[%dma_start3A_756, %dma_start3A_757] : memref<1024x32xf32, #tpu.memory_space<vmem>> -> memref<128x32xf32, #tpu.memory_space<vmem>>
      %dma_start3A_759 = arith.constant 0 : i32
      %dma_start3A_760 = arith.constant 0 : i32
      %dma_start3A_761 = tpu.memref_slice %arg5[%dma_start3A_749, %dma_start3A_759, %dma_start3A_760] : memref<2x8x128xi32, #tpu.memory_space<vmem>> -> memref<1x8x128xi32, #tpu.memory_space<vmem>>
      %dma_start3A_762 = tpu.memref_squeeze %dma_start3A_761 : memref<1x8x128xi32, #tpu.memory_space<vmem>> -> memref<8x128xi32, #tpu.memory_space<vmem>>
      %dma_start3A_763 = arith.constant 0 : i32
      %dma_start3A_764 = tpu.memref_slice %dma_start3A_762[%dma_start3A_750, %dma_start3A_763] : memref<8x128xi32, #tpu.memory_space<vmem>> -> memref<1x128xi32, #tpu.memory_space<vmem>>
      %dma_start3A_765 = tpu.memref_squeeze %dma_start3A_764 : memref<1x128xi32, #tpu.memory_space<vmem>> -> memref<128xi32, #tpu.memory_space<vmem>>
      %dma_start3A_766 = arith.constant 0 : i32
      %dma_start3A_767 = arith.constant 0 : i32
      %dma_start3A_768 = tpu.memref_slice %arg3[%dma_start3A_766, %dma_start3A_767] : memref<1000000x32xf32, #tpu.memory_space<hbm>> -> memref<1000000x32xf32, #tpu.memory_space<hbm>>
      tpu.enqueue_indirect_dma source(%dma_start3A_768 : memref<1000000x32xf32, #tpu.memory_space<hbm>>) target(%dma_start3A_758 : memref<128x32xf32, #tpu.memory_space<vmem>>) offsets(%dma_start3A_765 : memref<128xi32, #tpu.memory_space<vmem>>) semaphore(%arg7 : memref<!tpu.dma_semaphore, #tpu.memory_space<semaphore_mem>>)
      %dma_start3A_769 = arith.constant 0 : i32
      %dma_start3A_770 = arith.constant 1 : i32
      %dma_start3A_771 = arith.constant 0 : i32
      %dma_start3A_772 = arith.constant 0 : i32
      %dma_start3A_773 = arith.constant 0 : i32
      %dma_start3A_774 = tpu.memref_slice %arg6[%dma_start3A_771, %dma_start3A_772, %dma_start3A_773] : memref<2x1024x32xf32, #tpu.memory_space<vmem>> -> memref<1x1024x32xf32, #tpu.memory_space<vmem>>
      %dma_start3A_775 = tpu.memref_squeeze %dma_start3A_774 : memref<1x1024x32xf32, #tpu.memory_space<vmem>> -> memref<1024x32xf32, #tpu.memory_space<vmem>>
      %dma_start3A_776 = arith.constant 128 : i32
      %dma_start3A_777 = arith.constant 0 : i32
      %dma_start3A_778 = tpu.memref_slice %dma_start3A_775[%dma_start3A_776, %dma_start3A_777] : memref<1024x32xf32, #tpu.memory_space<vmem>> -> memref<128x32xf32, #tpu.memory_space<vmem>>
      %dma_start3A_779 = arith.constant 0 : i32
      %dma_start3A_780 = arith.constant 0 : i32
      %dma_start3A_781 = tpu.memref_slice %arg5[%dma_start3A_769, %dma_start3A_779, %dma_start3A_780] : memref<2x8x128xi32, #tpu.memory_space<vmem>> -> memref<1x8x128xi32, #tpu.memory_space<vmem>>
      %dma_start3A_782 = tpu.memref_squeeze %dma_start3A_781 : memref<1x8x128xi32, #tpu.memory_space<vmem>> -> memref<8x128xi32, #tpu.memory_space<vmem>>
      %dma_start3A_783 = arith.constant 0 : i32
      %dma_start3A_784 = tpu.memref_slice %dma_start3A_782[%dma_start3A_770, %dma_start3A_783] : memref<8x128xi32, #tpu.memory_space<vmem>> -> memref<1x128xi32, #tpu.memory_space<vmem>>
      %dma_start3A_785 = tpu.memref_squeeze %dma_start3A_784 : memref<1x128xi32, #tpu.memory_space<vmem>> -> memref<128xi32, #tpu.memory_space<vmem>>
      %dma_start3A_786 = arith.constant 0 : i32
      %dma_start3A_787 = arith.constant 0 : i32
      %dma_start3A_788 = tpu.memref_slice %arg3[%dma_start3A_786, %dma_start3A_787] : memref<1000000x32xf32, #tpu.memory_space<hbm>> -> memref<1000000x32xf32, #tpu.memory_space<hbm>>
      tpu.enqueue_indirect_dma source(%dma_start3A_788 : memref<1000000x32xf32, #tpu.memory_space<hbm>>) target(%dma_start3A_778 : memref<128x32xf32, #tpu.memory_space<vmem>>) offsets(%dma_start3A_785 : memref<128xi32, #tpu.memory_space<vmem>>) semaphore(%arg7 : memref<!tpu.dma_semaphore, #tpu.memory_space<semaphore_mem>>)
      %dma_start3A_789 = arith.constant 0 : i32
      %dma_start3A_790 = arith.constant 2 : i32
      %dma_start3A_791 = arith.constant 0 : i32
      %dma_start3A_792 = arith.constant 0 : i32
      %dma_start3A_793 = arith.constant 0 : i32
      %dma_start3A_794 = tpu.memref_slice %arg6[%dma_start3A_791, %dma_start3A_792, %dma_start3A_793] : memref<2x1024x32xf32, #tpu.memory_space<vmem>> -> memref<1x1024x32xf32, #tpu.memory_space<vmem>>
      %dma_start3A_795 = tpu.memref_squeeze %dma_start3A_794 : memref<1x1024x32xf32, #tpu.memory_space<vmem>> -> memref<1024x32xf32, #tpu.memory_space<vmem>>
      %dma_start3A_796 = arith.constant 256 : i32
      %dma_start3A_797 = arith.constant 0 : i32
      %dma_start3A_798 = tpu.memref_slice %dma_start3A_795[%dma_start3A_796, %dma_start3A_797] : memref<1024x32xf32, #tpu.memory_space<vmem>> -> memref<128x32xf32, #tpu.memory_space<vmem>>
      %dma_start3A_799 = arith.constant 0 : i32
      %dma_start3A_800 = arith.constant 0 : i32
      %dma_start3A_801 = tpu.memref_slice %arg5[%dma_start3A_789, %dma_start3A_799, %dma_start3A_800] : memref<2x8x128xi32, #tpu.memory_space<vmem>> -> memref<1x8x128xi32, #tpu.memory_space<vmem>>
      %dma_start3A_802 = tpu.memref_squeeze %dma_start3A_801 : memref<1x8x128xi32, #tpu.memory_space<vmem>> -> memref<8x128xi32, #tpu.memory_space<vmem>>
      %dma_start3A_803 = arith.constant 0 : i32
      %dma_start3A_804 = tpu.memref_slice %dma_start3A_802[%dma_start3A_790, %dma_start3A_803] : memref<8x128xi32, #tpu.memory_space<vmem>> -> memref<1x128xi32, #tpu.memory_space<vmem>>
      %dma_start3A_805 = tpu.memref_squeeze %dma_start3A_804 : memref<1x128xi32, #tpu.memory_space<vmem>> -> memref<128xi32, #tpu.memory_space<vmem>>
      %dma_start3A_806 = arith.constant 0 : i32
      %dma_start3A_807 = arith.constant 0 : i32
      %dma_start3A_808 = tpu.memref_slice %arg3[%dma_start3A_806, %dma_start3A_807] : memref<1000000x32xf32, #tpu.memory_space<hbm>> -> memref<1000000x32xf32, #tpu.memory_space<hbm>>
      tpu.enqueue_indirect_dma source(%dma_start3A_808 : memref<1000000x32xf32, #tpu.memory_space<hbm>>) target(%dma_start3A_798 : memref<128x32xf32, #tpu.memory_space<vmem>>) offsets(%dma_start3A_805 : memref<128xi32, #tpu.memory_space<vmem>>) semaphore(%arg7 : memref<!tpu.dma_semaphore, #tpu.memory_space<semaphore_mem>>)
      %dma_start3A_809 = arith.constant 0 : i32
      %dma_start3A_810 = arith.constant 3 : i32
      %dma_start3A_811 = arith.constant 0 : i32
      %dma_start3A_812 = arith.constant 0 : i32
      %dma_start3A_813 = arith.constant 0 : i32
      %dma_start3A_814 = tpu.memref_slice %arg6[%dma_start3A_811, %dma_start3A_812, %dma_start3A_813] : memref<2x1024x32xf32, #tpu.memory_space<vmem>> -> memref<1x1024x32xf32, #tpu.memory_space<vmem>>
      %dma_start3A_815 = tpu.memref_squeeze %dma_start3A_814 : memref<1x1024x32xf32, #tpu.memory_space<vmem>> -> memref<1024x32xf32, #tpu.memory_space<vmem>>
      %dma_start3A_816 = arith.constant 384 : i32
      %dma_start3A_817 = arith.constant 0 : i32
      %dma_start3A_818 = tpu.memref_slice %dma_start3A_815[%dma_start3A_816, %dma_start3A_817] : memref<1024x32xf32, #tpu.memory_space<vmem>> -> memref<128x32xf32, #tpu.memory_space<vmem>>
      %dma_start3A_819 = arith.constant 0 : i32
      %dma_start3A_820 = arith.constant 0 : i32
      %dma_start3A_821 = tpu.memref_slice %arg5[%dma_start3A_809, %dma_start3A_819, %dma_start3A_820] : memref<2x8x128xi32, #tpu.memory_space<vmem>> -> memref<1x8x128xi32, #tpu.memory_space<vmem>>
      %dma_start3A_822 = tpu.memref_squeeze %dma_start3A_821 : memref<1x8x128xi32, #tpu.memory_space<vmem>> -> memref<8x128xi32, #tpu.memory_space<vmem>>
      %dma_start3A_823 = arith.constant 0 : i32
      %dma_start3A_824 = tpu.memref_slice %dma_start3A_822[%dma_start3A_810, %dma_start3A_823] : memref<8x128xi32, #tpu.memory_space<vmem>> -> memref<1x128xi32, #tpu.memory_space<vmem>>
      %dma_start3A_825 = tpu.memref_squeeze %dma_start3A_824 : memref<1x128xi32, #tpu.memory_space<vmem>> -> memref<128xi32, #tpu.memory_space<vmem>>
      %dma_start3A_826 = arith.constant 0 : i32
      %dma_start3A_827 = arith.constant 0 : i32
      %dma_start3A_828 = tpu.memref_slice %arg3[%dma_start3A_826, %dma_start3A_827] : memref<1000000x32xf32, #tpu.memory_space<hbm>> -> memref<1000000x32xf32, #tpu.memory_space<hbm>>
      tpu.enqueue_indirect_dma source(%dma_start3A_828 : memref<1000000x32xf32, #tpu.memory_space<hbm>>) target(%dma_start3A_818 : memref<128x32xf32, #tpu.memory_space<vmem>>) offsets(%dma_start3A_825 : memref<128xi32, #tpu.memory_space<vmem>>) semaphore(%arg7 : memref<!tpu.dma_semaphore, #tpu.memory_space<semaphore_mem>>)
      %dma_start3A_829 = arith.constant 0 : i32
      %dma_start3A_830 = arith.constant 4 : i32
      %dma_start3A_831 = arith.constant 0 : i32
      %dma_start3A_832 = arith.constant 0 : i32
      %dma_start3A_833 = arith.constant 0 : i32
      %dma_start3A_834 = tpu.memref_slice %arg6[%dma_start3A_831, %dma_start3A_832, %dma_start3A_833] : memref<2x1024x32xf32, #tpu.memory_space<vmem>> -> memref<1x1024x32xf32, #tpu.memory_space<vmem>>
      %dma_start3A_835 = tpu.memref_squeeze %dma_start3A_834 : memref<1x1024x32xf32, #tpu.memory_space<vmem>> -> memref<1024x32xf32, #tpu.memory_space<vmem>>
      %dma_start3A_836 = arith.constant 512 : i32
      %dma_start3A_837 = arith.constant 0 : i32
      %dma_start3A_838 = tpu.memref_slice %dma_start3A_835[%dma_start3A_836, %dma_start3A_837] : memref<1024x32xf32, #tpu.memory_space<vmem>> -> memref<128x32xf32, #tpu.memory_space<vmem>>
      %dma_start3A_839 = arith.constant 0 : i32
      %dma_start3A_840 = arith.constant 0 : i32
      %dma_start3A_841 = tpu.memref_slice %arg5[%dma_start3A_829, %dma_start3A_839, %dma_start3A_840] : memref<2x8x128xi32, #tpu.memory_space<vmem>> -> memref<1x8x128xi32, #tpu.memory_space<vmem>>
      %dma_start3A_842 = tpu.memref_squeeze %dma_start3A_841 : memref<1x8x128xi32, #tpu.memory_space<vmem>> -> memref<8x128xi32, #tpu.memory_space<vmem>>
      %dma_start3A_843 = arith.constant 0 : i32
      %dma_start3A_844 = tpu.memref_slice %dma_start3A_842[%dma_start3A_830, %dma_start3A_843] : memref<8x128xi32, #tpu.memory_space<vmem>> -> memref<1x128xi32, #tpu.memory_space<vmem>>
      %dma_start3A_845 = tpu.memref_squeeze %dma_start3A_844 : memref<1x128xi32, #tpu.memory_space<vmem>> -> memref<128xi32, #tpu.memory_space<vmem>>
      %dma_start3A_846 = arith.constant 0 : i32
      %dma_start3A_847 = arith.constant 0 : i32
      %dma_start3A_848 = tpu.memref_slice %arg3[%dma_start3A_846, %dma_start3A_847] : memref<1000000x32xf32, #tpu.memory_space<hbm>> -> memref<1000000x32xf32, #tpu.memory_space<hbm>>
      tpu.enqueue_indirect_dma source(%dma_start3A_848 : memref<1000000x32xf32, #tpu.memory_space<hbm>>) target(%dma_start3A_838 : memref<128x32xf32, #tpu.memory_space<vmem>>) offsets(%dma_start3A_845 : memref<128xi32, #tpu.memory_space<vmem>>) semaphore(%arg7 : memref<!tpu.dma_semaphore, #tpu.memory_space<semaphore_mem>>)
      %dma_start3A_849 = arith.constant 0 : i32
      %dma_start3A_850 = arith.constant 5 : i32
      %dma_start3A_851 = arith.constant 0 : i32
      %dma_start3A_852 = arith.constant 0 : i32
      %dma_start3A_853 = arith.constant 0 : i32
      %dma_start3A_854 = tpu.memref_slice %arg6[%dma_start3A_851, %dma_start3A_852, %dma_start3A_853] : memref<2x1024x32xf32, #tpu.memory_space<vmem>> -> memref<1x1024x32xf32, #tpu.memory_space<vmem>>
      %dma_start3A_855 = tpu.memref_squeeze %dma_start3A_854 : memref<1x1024x32xf32, #tpu.memory_space<vmem>> -> memref<1024x32xf32, #tpu.memory_space<vmem>>
      %dma_start3A_856 = arith.constant 640 : i32
      %dma_start3A_857 = arith.constant 0 : i32
      %dma_start3A_858 = tpu.memref_slice %dma_start3A_855[%dma_start3A_856, %dma_start3A_857] : memref<1024x32xf32, #tpu.memory_space<vmem>> -> memref<128x32xf32, #tpu.memory_space<vmem>>
      %dma_start3A_859 = arith.constant 0 : i32
      %dma_start3A_860 = arith.constant 0 : i32
      %dma_start3A_861 = tpu.memref_slice %arg5[%dma_start3A_849, %dma_start3A_859, %dma_start3A_860] : memref<2x8x128xi32, #tpu.memory_space<vmem>> -> memref<1x8x128xi32, #tpu.memory_space<vmem>>
      %dma_start3A_862 = tpu.memref_squeeze %dma_start3A_861 : memref<1x8x128xi32, #tpu.memory_space<vmem>> -> memref<8x128xi32, #tpu.memory_space<vmem>>
      %dma_start3A_863 = arith.constant 0 : i32
      %dma_start3A_864 = tpu.memref_slice %dma_start3A_862[%dma_start3A_850, %dma_start3A_863] : memref<8x128xi32, #tpu.memory_space<vmem>> -> memref<1x128xi32, #tpu.memory_space<vmem>>
      %dma_start3A_865 = tpu.memref_squeeze %dma_start3A_864 : memref<1x128xi32, #tpu.memory_space<vmem>> -> memref<128xi32, #tpu.memory_space<vmem>>
      %dma_start3A_866 = arith.constant 0 : i32
      %dma_start3A_867 = arith.constant 0 : i32
      %dma_start3A_868 = tpu.memref_slice %arg3[%dma_start3A_866, %dma_start3A_867] : memref<1000000x32xf32, #tpu.memory_space<hbm>> -> memref<1000000x32xf32, #tpu.memory_space<hbm>>
      tpu.enqueue_indirect_dma source(%dma_start3A_868 : memref<1000000x32xf32, #tpu.memory_space<hbm>>) target(%dma_start3A_858 : memref<128x32xf32, #tpu.memory_space<vmem>>) offsets(%dma_start3A_865 : memref<128xi32, #tpu.memory_space<vmem>>) semaphore(%arg7 : memref<!tpu.dma_semaphore, #tpu.memory_space<semaphore_mem>>)
      %dma_start3A_869 = arith.constant 0 : i32
      %dma_start3A_870 = arith.constant 6 : i32
      %dma_start3A_871 = arith.constant 0 : i32
      %dma_start3A_872 = arith.constant 0 : i32
      %dma_start3A_873 = arith.constant 0 : i32
      %dma_start3A_874 = tpu.memref_slice %arg6[%dma_start3A_871, %dma_start3A_872, %dma_start3A_873] : memref<2x1024x32xf32, #tpu.memory_space<vmem>> -> memref<1x1024x32xf32, #tpu.memory_space<vmem>>
      %dma_start3A_875 = tpu.memref_squeeze %dma_start3A_874 : memref<1x1024x32xf32, #tpu.memory_space<vmem>> -> memref<1024x32xf32, #tpu.memory_space<vmem>>
      %dma_start3A_876 = arith.constant 768 : i32
      %dma_start3A_877 = arith.constant 0 : i32
      %dma_start3A_878 = tpu.memref_slice %dma_start3A_875[%dma_start3A_876, %dma_start3A_877] : memref<1024x32xf32, #tpu.memory_space<vmem>> -> memref<128x32xf32, #tpu.memory_space<vmem>>
      %dma_start3A_879 = arith.constant 0 : i32
      %dma_start3A_880 = arith.constant 0 : i32
      %dma_start3A_881 = tpu.memref_slice %arg5[%dma_start3A_869, %dma_start3A_879, %dma_start3A_880] : memref<2x8x128xi32, #tpu.memory_space<vmem>> -> memref<1x8x128xi32, #tpu.memory_space<vmem>>
      %dma_start3A_882 = tpu.memref_squeeze %dma_start3A_881 : memref<1x8x128xi32, #tpu.memory_space<vmem>> -> memref<8x128xi32, #tpu.memory_space<vmem>>
      %dma_start3A_883 = arith.constant 0 : i32
      %dma_start3A_884 = tpu.memref_slice %dma_start3A_882[%dma_start3A_870, %dma_start3A_883] : memref<8x128xi32, #tpu.memory_space<vmem>> -> memref<1x128xi32, #tpu.memory_space<vmem>>
      %dma_start3A_885 = tpu.memref_squeeze %dma_start3A_884 : memref<1x128xi32, #tpu.memory_space<vmem>> -> memref<128xi32, #tpu.memory_space<vmem>>
      %dma_start3A_886 = arith.constant 0 : i32
      %dma_start3A_887 = arith.constant 0 : i32
      %dma_start3A_888 = tpu.memref_slice %arg3[%dma_start3A_886, %dma_start3A_887] : memref<1000000x32xf32, #tpu.memory_space<hbm>> -> memref<1000000x32xf32, #tpu.memory_space<hbm>>
      tpu.enqueue_indirect_dma source(%dma_start3A_888 : memref<1000000x32xf32, #tpu.memory_space<hbm>>) target(%dma_start3A_878 : memref<128x32xf32, #tpu.memory_space<vmem>>) offsets(%dma_start3A_885 : memref<128xi32, #tpu.memory_space<vmem>>) semaphore(%arg7 : memref<!tpu.dma_semaphore, #tpu.memory_space<semaphore_mem>>)
      %dma_start3A_889 = arith.constant 0 : i32
      %dma_start3A_890 = arith.constant 7 : i32
      %dma_start3A_891 = arith.constant 0 : i32
      %dma_start3A_892 = arith.constant 0 : i32
      %dma_start3A_893 = arith.constant 0 : i32
      %dma_start3A_894 = tpu.memref_slice %arg6[%dma_start3A_891, %dma_start3A_892, %dma_start3A_893] : memref<2x1024x32xf32, #tpu.memory_space<vmem>> -> memref<1x1024x32xf32, #tpu.memory_space<vmem>>
      %dma_start3A_895 = tpu.memref_squeeze %dma_start3A_894 : memref<1x1024x32xf32, #tpu.memory_space<vmem>> -> memref<1024x32xf32, #tpu.memory_space<vmem>>
      %dma_start3A_896 = arith.constant 896 : i32
      %dma_start3A_897 = arith.constant 0 : i32
      %dma_start3A_898 = tpu.memref_slice %dma_start3A_895[%dma_start3A_896, %dma_start3A_897] : memref<1024x32xf32, #tpu.memory_space<vmem>> -> memref<128x32xf32, #tpu.memory_space<vmem>>
      %dma_start3A_899 = arith.constant 0 : i32
      %dma_start3A_900 = arith.constant 0 : i32
      %dma_start3A_901 = tpu.memref_slice %arg5[%dma_start3A_889, %dma_start3A_899, %dma_start3A_900] : memref<2x8x128xi32, #tpu.memory_space<vmem>> -> memref<1x8x128xi32, #tpu.memory_space<vmem>>
      %dma_start3A_902 = tpu.memref_squeeze %dma_start3A_901 : memref<1x8x128xi32, #tpu.memory_space<vmem>> -> memref<8x128xi32, #tpu.memory_space<vmem>>
      %dma_start3A_903 = arith.constant 0 : i32
      %dma_start3A_904 = tpu.memref_slice %dma_start3A_902[%dma_start3A_890, %dma_start3A_903] : memref<8x128xi32, #tpu.memory_space<vmem>> -> memref<1x128xi32, #tpu.memory_space<vmem>>
      %dma_start3A_905 = tpu.memref_squeeze %dma_start3A_904 : memref<1x128xi32, #tpu.memory_space<vmem>> -> memref<128xi32, #tpu.memory_space<vmem>>
      %dma_start3A_906 = arith.constant 0 : i32
      %dma_start3A_907 = arith.constant 0 : i32
      %dma_start3A_908 = tpu.memref_slice %arg3[%dma_start3A_906, %dma_start3A_907] : memref<1000000x32xf32, #tpu.memory_space<hbm>> -> memref<1000000x32xf32, #tpu.memory_space<hbm>>
      tpu.enqueue_indirect_dma source(%dma_start3A_908 : memref<1000000x32xf32, #tpu.memory_space<hbm>>) target(%dma_start3A_898 : memref<128x32xf32, #tpu.memory_space<vmem>>) offsets(%dma_start3A_905 : memref<128xi32, #tpu.memory_space<vmem>>) semaphore(%arg7 : memref<!tpu.dma_semaphore, #tpu.memory_space<semaphore_mem>>)
      %dma_wait3A_909 = arith.constant 1 : i32
      %dma_wait3A_910 = arith.constant 0 : i32
      %dma_wait3A_911 = arith.constant 1 : i32
      %dma_wait3A_912 = arith.constant 0 : i32
      %dma_wait3A_913 = arith.constant 0 : i32
      %dma_wait3A_914 = tpu.memref_slice %arg6[%dma_wait3A_911, %dma_wait3A_912, %dma_wait3A_913] : memref<2x1024x32xf32, #tpu.memory_space<vmem>> -> memref<1x1024x32xf32, #tpu.memory_space<vmem>>
      %dma_wait3A_915 = tpu.memref_squeeze %dma_wait3A_914 : memref<1x1024x32xf32, #tpu.memory_space<vmem>> -> memref<1024x32xf32, #tpu.memory_space<vmem>>
      %dma_wait3A_916 = arith.constant 0 : i32
      %dma_wait3A_917 = arith.constant 0 : i32
      %dma_wait3A_918 = tpu.memref_slice %dma_wait3A_915[%dma_wait3A_916, %dma_wait3A_917] : memref<1024x32xf32, #tpu.memory_space<vmem>> -> memref<128x32xf32, #tpu.memory_space<vmem>>
      %dma_wait3A_919 = arith.constant 0 : i32
      %dma_wait3A_920 = arith.constant 0 : i32
      %dma_wait3A_921 = tpu.memref_slice %arg5[%dma_wait3A_909, %dma_wait3A_919, %dma_wait3A_920] : memref<2x8x128xi32, #tpu.memory_space<vmem>> -> memref<1x8x128xi32, #tpu.memory_space<vmem>>
      %dma_wait3A_922 = tpu.memref_squeeze %dma_wait3A_921 : memref<1x8x128xi32, #tpu.memory_space<vmem>> -> memref<8x128xi32, #tpu.memory_space<vmem>>
      %dma_wait3A_923 = arith.constant 0 : i32
      %dma_wait3A_924 = tpu.memref_slice %dma_wait3A_922[%dma_wait3A_910, %dma_wait3A_923] : memref<8x128xi32, #tpu.memory_space<vmem>> -> memref<1x128xi32, #tpu.memory_space<vmem>>
      %dma_wait3A_925 = tpu.memref_squeeze %dma_wait3A_924 : memref<1x128xi32, #tpu.memory_space<vmem>> -> memref<128xi32, #tpu.memory_space<vmem>>
      %dma_wait3A_926 = arith.constant 0 : i32
      %dma_wait3A_927 = arith.constant 0 : i32
      %dma_wait3A_928 = tpu.memref_slice %arg3[%dma_wait3A_926, %dma_wait3A_927] : memref<1000000x32xf32, #tpu.memory_space<hbm>> -> memref<1000000x32xf32, #tpu.memory_space<hbm>>
      tpu.wait_indirect_dma semaphore(%arg8 : memref<!tpu.dma_semaphore, #tpu.memory_space<semaphore_mem>>) src(%dma_wait3A_928 : memref<1000000x32xf32, #tpu.memory_space<hbm>>) dst(%dma_wait3A_918 : memref<128x32xf32, #tpu.memory_space<vmem>>)
      %dma_wait3A_929 = arith.constant 1 : i32
      %dma_wait3A_930 = arith.constant 1 : i32
      %dma_wait3A_931 = arith.constant 1 : i32
      %dma_wait3A_932 = arith.constant 0 : i32
      %dma_wait3A_933 = arith.constant 0 : i32
      %dma_wait3A_934 = tpu.memref_slice %arg6[%dma_wait3A_931, %dma_wait3A_932, %dma_wait3A_933] : memref<2x1024x32xf32, #tpu.memory_space<vmem>> -> memref<1x1024x32xf32, #tpu.memory_space<vmem>>
      %dma_wait3A_935 = tpu.memref_squeeze %dma_wait3A_934 : memref<1x1024x32xf32, #tpu.memory_space<vmem>> -> memref<1024x32xf32, #tpu.memory_space<vmem>>
      %dma_wait3A_936 = arith.constant 128 : i32
      %dma_wait3A_937 = arith.constant 0 : i32
      %dma_wait3A_938 = tpu.memref_slice %dma_wait3A_935[%dma_wait3A_936, %dma_wait3A_937] : memref<1024x32xf32, #tpu.memory_space<vmem>> -> memref<128x32xf32, #tpu.memory_space<vmem>>
      %dma_wait3A_939 = arith.constant 0 : i32
      %dma_wait3A_940 = arith.constant 0 : i32
      %dma_wait3A_941 = tpu.memref_slice %arg5[%dma_wait3A_929, %dma_wait3A_939, %dma_wait3A_940] : memref<2x8x128xi32, #tpu.memory_space<vmem>> -> memref<1x8x128xi32, #tpu.memory_space<vmem>>
      %dma_wait3A_942 = tpu.memref_squeeze %dma_wait3A_941 : memref<1x8x128xi32, #tpu.memory_space<vmem>> -> memref<8x128xi32, #tpu.memory_space<vmem>>
      %dma_wait3A_943 = arith.constant 0 : i32
      %dma_wait3A_944 = tpu.memref_slice %dma_wait3A_942[%dma_wait3A_930, %dma_wait3A_943] : memref<8x128xi32, #tpu.memory_space<vmem>> -> memref<1x128xi32, #tpu.memory_space<vmem>>
      %dma_wait3A_945 = tpu.memref_squeeze %dma_wait3A_944 : memref<1x128xi32, #tpu.memory_space<vmem>> -> memref<128xi32, #tpu.memory_space<vmem>>
      %dma_wait3A_946 = arith.constant 0 : i32
      %dma_wait3A_947 = arith.constant 0 : i32
      %dma_wait3A_948 = tpu.memref_slice %arg3[%dma_wait3A_946, %dma_wait3A_947] : memref<1000000x32xf32, #tpu.memory_space<hbm>> -> memref<1000000x32xf32, #tpu.memory_space<hbm>>
      tpu.wait_indirect_dma semaphore(%arg8 : memref<!tpu.dma_semaphore, #tpu.memory_space<semaphore_mem>>) src(%dma_wait3A_948 : memref<1000000x32xf32, #tpu.memory_space<hbm>>) dst(%dma_wait3A_938 : memref<128x32xf32, #tpu.memory_space<vmem>>)
      %dma_wait3A_949 = arith.constant 1 : i32
      %dma_wait3A_950 = arith.constant 2 : i32
      %dma_wait3A_951 = arith.constant 1 : i32
      %dma_wait3A_952 = arith.constant 0 : i32
      %dma_wait3A_953 = arith.constant 0 : i32
      %dma_wait3A_954 = tpu.memref_slice %arg6[%dma_wait3A_951, %dma_wait3A_952, %dma_wait3A_953] : memref<2x1024x32xf32, #tpu.memory_space<vmem>> -> memref<1x1024x32xf32, #tpu.memory_space<vmem>>
      %dma_wait3A_955 = tpu.memref_squeeze %dma_wait3A_954 : memref<1x1024x32xf32, #tpu.memory_space<vmem>> -> memref<1024x32xf32, #tpu.memory_space<vmem>>
      %dma_wait3A_956 = arith.constant 256 : i32
      %dma_wait3A_957 = arith.constant 0 : i32
      %dma_wait3A_958 = tpu.memref_slice %dma_wait3A_955[%dma_wait3A_956, %dma_wait3A_957] : memref<1024x32xf32, #tpu.memory_space<vmem>> -> memref<128x32xf32, #tpu.memory_space<vmem>>
      %dma_wait3A_959 = arith.constant 0 : i32
      %dma_wait3A_960 = arith.constant 0 : i32
      %dma_wait3A_961 = tpu.memref_slice %arg5[%dma_wait3A_949, %dma_wait3A_959, %dma_wait3A_960] : memref<2x8x128xi32, #tpu.memory_space<vmem>> -> memref<1x8x128xi32, #tpu.memory_space<vmem>>
      %dma_wait3A_962 = tpu.memref_squeeze %dma_wait3A_961 : memref<1x8x128xi32, #tpu.memory_space<vmem>> -> memref<8x128xi32, #tpu.memory_space<vmem>>
      %dma_wait3A_963 = arith.constant 0 : i32
      %dma_wait3A_964 = tpu.memref_slice %dma_wait3A_962[%dma_wait3A_950, %dma_wait3A_963] : memref<8x128xi32, #tpu.memory_space<vmem>> -> memref<1x128xi32, #tpu.memory_space<vmem>>
      %dma_wait3A_965 = tpu.memref_squeeze %dma_wait3A_964 : memref<1x128xi32, #tpu.memory_space<vmem>> -> memref<128xi32, #tpu.memory_space<vmem>>
      %dma_wait3A_966 = arith.constant 0 : i32
      %dma_wait3A_967 = arith.constant 0 : i32
      %dma_wait3A_968 = tpu.memref_slice %arg3[%dma_wait3A_966, %dma_wait3A_967] : memref<1000000x32xf32, #tpu.memory_space<hbm>> -> memref<1000000x32xf32, #tpu.memory_space<hbm>>
      tpu.wait_indirect_dma semaphore(%arg8 : memref<!tpu.dma_semaphore, #tpu.memory_space<semaphore_mem>>) src(%dma_wait3A_968 : memref<1000000x32xf32, #tpu.memory_space<hbm>>) dst(%dma_wait3A_958 : memref<128x32xf32, #tpu.memory_space<vmem>>)
      %dma_wait3A_969 = arith.constant 1 : i32
      %dma_wait3A_970 = arith.constant 3 : i32
      %dma_wait3A_971 = arith.constant 1 : i32
      %dma_wait3A_972 = arith.constant 0 : i32
      %dma_wait3A_973 = arith.constant 0 : i32
      %dma_wait3A_974 = tpu.memref_slice %arg6[%dma_wait3A_971, %dma_wait3A_972, %dma_wait3A_973] : memref<2x1024x32xf32, #tpu.memory_space<vmem>> -> memref<1x1024x32xf32, #tpu.memory_space<vmem>>
      %dma_wait3A_975 = tpu.memref_squeeze %dma_wait3A_974 : memref<1x1024x32xf32, #tpu.memory_space<vmem>> -> memref<1024x32xf32, #tpu.memory_space<vmem>>
      %dma_wait3A_976 = arith.constant 384 : i32
      %dma_wait3A_977 = arith.constant 0 : i32
      %dma_wait3A_978 = tpu.memref_slice %dma_wait3A_975[%dma_wait3A_976, %dma_wait3A_977] : memref<1024x32xf32, #tpu.memory_space<vmem>> -> memref<128x32xf32, #tpu.memory_space<vmem>>
      %dma_wait3A_979 = arith.constant 0 : i32
      %dma_wait3A_980 = arith.constant 0 : i32
      %dma_wait3A_981 = tpu.memref_slice %arg5[%dma_wait3A_969, %dma_wait3A_979, %dma_wait3A_980] : memref<2x8x128xi32, #tpu.memory_space<vmem>> -> memref<1x8x128xi32, #tpu.memory_space<vmem>>
      %dma_wait3A_982 = tpu.memref_squeeze %dma_wait3A_981 : memref<1x8x128xi32, #tpu.memory_space<vmem>> -> memref<8x128xi32, #tpu.memory_space<vmem>>
      %dma_wait3A_983 = arith.constant 0 : i32
      %dma_wait3A_984 = tpu.memref_slice %dma_wait3A_982[%dma_wait3A_970, %dma_wait3A_983] : memref<8x128xi32, #tpu.memory_space<vmem>> -> memref<1x128xi32, #tpu.memory_space<vmem>>
      %dma_wait3A_985 = tpu.memref_squeeze %dma_wait3A_984 : memref<1x128xi32, #tpu.memory_space<vmem>> -> memref<128xi32, #tpu.memory_space<vmem>>
      %dma_wait3A_986 = arith.constant 0 : i32
      %dma_wait3A_987 = arith.constant 0 : i32
      %dma_wait3A_988 = tpu.memref_slice %arg3[%dma_wait3A_986, %dma_wait3A_987] : memref<1000000x32xf32, #tpu.memory_space<hbm>> -> memref<1000000x32xf32, #tpu.memory_space<hbm>>
      tpu.wait_indirect_dma semaphore(%arg8 : memref<!tpu.dma_semaphore, #tpu.memory_space<semaphore_mem>>) src(%dma_wait3A_988 : memref<1000000x32xf32, #tpu.memory_space<hbm>>) dst(%dma_wait3A_978 : memref<128x32xf32, #tpu.memory_space<vmem>>)
      %dma_wait3A_989 = arith.constant 1 : i32
      %dma_wait3A_990 = arith.constant 4 : i32
      %dma_wait3A_991 = arith.constant 1 : i32
      %dma_wait3A_992 = arith.constant 0 : i32
      %dma_wait3A_993 = arith.constant 0 : i32
      %dma_wait3A_994 = tpu.memref_slice %arg6[%dma_wait3A_991, %dma_wait3A_992, %dma_wait3A_993] : memref<2x1024x32xf32, #tpu.memory_space<vmem>> -> memref<1x1024x32xf32, #tpu.memory_space<vmem>>
      %dma_wait3A_995 = tpu.memref_squeeze %dma_wait3A_994 : memref<1x1024x32xf32, #tpu.memory_space<vmem>> -> memref<1024x32xf32, #tpu.memory_space<vmem>>
      %dma_wait3A_996 = arith.constant 512 : i32
      %dma_wait3A_997 = arith.constant 0 : i32
      %dma_wait3A_998 = tpu.memref_slice %dma_wait3A_995[%dma_wait3A_996, %dma_wait3A_997] : memref<1024x32xf32, #tpu.memory_space<vmem>> -> memref<128x32xf32, #tpu.memory_space<vmem>>
      %dma_wait3A_999 = arith.constant 0 : i32
      %dma_wait3A_1000 = arith.constant 0 : i32
      %dma_wait3A_1001 = tpu.memref_slice %arg5[%dma_wait3A_989, %dma_wait3A_999, %dma_wait3A_1000] : memref<2x8x128xi32, #tpu.memory_space<vmem>> -> memref<1x8x128xi32, #tpu.memory_space<vmem>>
      %dma_wait3A_1002 = tpu.memref_squeeze %dma_wait3A_1001 : memref<1x8x128xi32, #tpu.memory_space<vmem>> -> memref<8x128xi32, #tpu.memory_space<vmem>>
      %dma_wait3A_1003 = arith.constant 0 : i32
      %dma_wait3A_1004 = tpu.memref_slice %dma_wait3A_1002[%dma_wait3A_990, %dma_wait3A_1003] : memref<8x128xi32, #tpu.memory_space<vmem>> -> memref<1x128xi32, #tpu.memory_space<vmem>>
      %dma_wait3A_1005 = tpu.memref_squeeze %dma_wait3A_1004 : memref<1x128xi32, #tpu.memory_space<vmem>> -> memref<128xi32, #tpu.memory_space<vmem>>
      %dma_wait3A_1006 = arith.constant 0 : i32
      %dma_wait3A_1007 = arith.constant 0 : i32
      %dma_wait3A_1008 = tpu.memref_slice %arg3[%dma_wait3A_1006, %dma_wait3A_1007] : memref<1000000x32xf32, #tpu.memory_space<hbm>> -> memref<1000000x32xf32, #tpu.memory_space<hbm>>
      tpu.wait_indirect_dma semaphore(%arg8 : memref<!tpu.dma_semaphore, #tpu.memory_space<semaphore_mem>>) src(%dma_wait3A_1008 : memref<1000000x32xf32, #tpu.memory_space<hbm>>) dst(%dma_wait3A_998 : memref<128x32xf32, #tpu.memory_space<vmem>>)
      %dma_wait3A_1009 = arith.constant 1 : i32
      %dma_wait3A_1010 = arith.constant 5 : i32
      %dma_wait3A_1011 = arith.constant 1 : i32
      %dma_wait3A_1012 = arith.constant 0 : i32
      %dma_wait3A_1013 = arith.constant 0 : i32
      %dma_wait3A_1014 = tpu.memref_slice %arg6[%dma_wait3A_1011, %dma_wait3A_1012, %dma_wait3A_1013] : memref<2x1024x32xf32, #tpu.memory_space<vmem>> -> memref<1x1024x32xf32, #tpu.memory_space<vmem>>
      %dma_wait3A_1015 = tpu.memref_squeeze %dma_wait3A_1014 : memref<1x1024x32xf32, #tpu.memory_space<vmem>> -> memref<1024x32xf32, #tpu.memory_space<vmem>>
      %dma_wait3A_1016 = arith.constant 640 : i32
      %dma_wait3A_1017 = arith.constant 0 : i32
      %dma_wait3A_1018 = tpu.memref_slice %dma_wait3A_1015[%dma_wait3A_1016, %dma_wait3A_1017] : memref<1024x32xf32, #tpu.memory_space<vmem>> -> memref<128x32xf32, #tpu.memory_space<vmem>>
      %dma_wait3A_1019 = arith.constant 0 : i32
      %dma_wait3A_1020 = arith.constant 0 : i32
      %dma_wait3A_1021 = tpu.memref_slice %arg5[%dma_wait3A_1009, %dma_wait3A_1019, %dma_wait3A_1020] : memref<2x8x128xi32, #tpu.memory_space<vmem>> -> memref<1x8x128xi32, #tpu.memory_space<vmem>>
      %dma_wait3A_1022 = tpu.memref_squeeze %dma_wait3A_1021 : memref<1x8x128xi32, #tpu.memory_space<vmem>> -> memref<8x128xi32, #tpu.memory_space<vmem>>
      %dma_wait3A_1023 = arith.constant 0 : i32
      %dma_wait3A_1024 = tpu.memref_slice %dma_wait3A_1022[%dma_wait3A_1010, %dma_wait3A_1023] : memref<8x128xi32, #tpu.memory_space<vmem>> -> memref<1x128xi32, #tpu.memory_space<vmem>>
      %dma_wait3A_1025 = tpu.memref_squeeze %dma_wait3A_1024 : memref<1x128xi32, #tpu.memory_space<vmem>> -> memref<128xi32, #tpu.memory_space<vmem>>
      %dma_wait3A_1026 = arith.constant 0 : i32
      %dma_wait3A_1027 = arith.constant 0 : i32
      %dma_wait3A_1028 = tpu.memref_slice %arg3[%dma_wait3A_1026, %dma_wait3A_1027] : memref<1000000x32xf32, #tpu.memory_space<hbm>> -> memref<1000000x32xf32, #tpu.memory_space<hbm>>
      tpu.wait_indirect_dma semaphore(%arg8 : memref<!tpu.dma_semaphore, #tpu.memory_space<semaphore_mem>>) src(%dma_wait3A_1028 : memref<1000000x32xf32, #tpu.memory_space<hbm>>) dst(%dma_wait3A_1018 : memref<128x32xf32, #tpu.memory_space<vmem>>)
      %dma_wait3A_1029 = arith.constant 1 : i32
      %dma_wait3A_1030 = arith.constant 6 : i32
      %dma_wait3A_1031 = arith.constant 1 : i32
      %dma_wait3A_1032 = arith.constant 0 : i32
      %dma_wait3A_1033 = arith.constant 0 : i32
      %dma_wait3A_1034 = tpu.memref_slice %arg6[%dma_wait3A_1031, %dma_wait3A_1032, %dma_wait3A_1033] : memref<2x1024x32xf32, #tpu.memory_space<vmem>> -> memref<1x1024x32xf32, #tpu.memory_space<vmem>>
      %dma_wait3A_1035 = tpu.memref_squeeze %dma_wait3A_1034 : memref<1x1024x32xf32, #tpu.memory_space<vmem>> -> memref<1024x32xf32, #tpu.memory_space<vmem>>
      %dma_wait3A_1036 = arith.constant 768 : i32
      %dma_wait3A_1037 = arith.constant 0 : i32
      %dma_wait3A_1038 = tpu.memref_slice %dma_wait3A_1035[%dma_wait3A_1036, %dma_wait3A_1037] : memref<1024x32xf32, #tpu.memory_space<vmem>> -> memref<128x32xf32, #tpu.memory_space<vmem>>
      %dma_wait3A_1039 = arith.constant 0 : i32
      %dma_wait3A_1040 = arith.constant 0 : i32
      %dma_wait3A_1041 = tpu.memref_slice %arg5[%dma_wait3A_1029, %dma_wait3A_1039, %dma_wait3A_1040] : memref<2x8x128xi32, #tpu.memory_space<vmem>> -> memref<1x8x128xi32, #tpu.memory_space<vmem>>
      %dma_wait3A_1042 = tpu.memref_squeeze %dma_wait3A_1041 : memref<1x8x128xi32, #tpu.memory_space<vmem>> -> memref<8x128xi32, #tpu.memory_space<vmem>>
      %dma_wait3A_1043 = arith.constant 0 : i32
      %dma_wait3A_1044 = tpu.memref_slice %dma_wait3A_1042[%dma_wait3A_1030, %dma_wait3A_1043] : memref<8x128xi32, #tpu.memory_space<vmem>> -> memref<1x128xi32, #tpu.memory_space<vmem>>
      %dma_wait3A_1045 = tpu.memref_squeeze %dma_wait3A_1044 : memref<1x128xi32, #tpu.memory_space<vmem>> -> memref<128xi32, #tpu.memory_space<vmem>>
      %dma_wait3A_1046 = arith.constant 0 : i32
      %dma_wait3A_1047 = arith.constant 0 : i32
      %dma_wait3A_1048 = tpu.memref_slice %arg3[%dma_wait3A_1046, %dma_wait3A_1047] : memref<1000000x32xf32, #tpu.memory_space<hbm>> -> memref<1000000x32xf32, #tpu.memory_space<hbm>>
      tpu.wait_indirect_dma semaphore(%arg8 : memref<!tpu.dma_semaphore, #tpu.memory_space<semaphore_mem>>) src(%dma_wait3A_1048 : memref<1000000x32xf32, #tpu.memory_space<hbm>>) dst(%dma_wait3A_1038 : memref<128x32xf32, #tpu.memory_space<vmem>>)
      %dma_wait3A_1049 = arith.constant 1 : i32
      %dma_wait3A_1050 = arith.constant 7 : i32
      %dma_wait3A_1051 = arith.constant 1 : i32
      %dma_wait3A_1052 = arith.constant 0 : i32
      %dma_wait3A_1053 = arith.constant 0 : i32
      %dma_wait3A_1054 = tpu.memref_slice %arg6[%dma_wait3A_1051, %dma_wait3A_1052, %dma_wait3A_1053] : memref<2x1024x32xf32, #tpu.memory_space<vmem>> -> memref<1x1024x32xf32, #tpu.memory_space<vmem>>
      %dma_wait3A_1055 = tpu.memref_squeeze %dma_wait3A_1054 : memref<1x1024x32xf32, #tpu.memory_space<vmem>> -> memref<1024x32xf32, #tpu.memory_space<vmem>>
      %dma_wait3A_1056 = arith.constant 896 : i32
      %dma_wait3A_1057 = arith.constant 0 : i32
      %dma_wait3A_1058 = tpu.memref_slice %dma_wait3A_1055[%dma_wait3A_1056, %dma_wait3A_1057] : memref<1024x32xf32, #tpu.memory_space<vmem>> -> memref<128x32xf32, #tpu.memory_space<vmem>>
      %dma_wait3A_1059 = arith.constant 0 : i32
      %dma_wait3A_1060 = arith.constant 0 : i32
      %dma_wait3A_1061 = tpu.memref_slice %arg5[%dma_wait3A_1049, %dma_wait3A_1059, %dma_wait3A_1060] : memref<2x8x128xi32, #tpu.memory_space<vmem>> -> memref<1x8x128xi32, #tpu.memory_space<vmem>>
      %dma_wait3A_1062 = tpu.memref_squeeze %dma_wait3A_1061 : memref<1x8x128xi32, #tpu.memory_space<vmem>> -> memref<8x128xi32, #tpu.memory_space<vmem>>
      %dma_wait3A_1063 = arith.constant 0 : i32
      %dma_wait3A_1064 = tpu.memref_slice %dma_wait3A_1062[%dma_wait3A_1050, %dma_wait3A_1063] : memref<8x128xi32, #tpu.memory_space<vmem>> -> memref<1x128xi32, #tpu.memory_space<vmem>>
      %dma_wait3A_1065 = tpu.memref_squeeze %dma_wait3A_1064 : memref<1x128xi32, #tpu.memory_space<vmem>> -> memref<128xi32, #tpu.memory_space<vmem>>
      %dma_wait3A_1066 = arith.constant 0 : i32
      %dma_wait3A_1067 = arith.constant 0 : i32
      %dma_wait3A_1068 = tpu.memref_slice %arg3[%dma_wait3A_1066, %dma_wait3A_1067] : memref<1000000x32xf32, #tpu.memory_space<hbm>> -> memref<1000000x32xf32, #tpu.memory_space<hbm>>
      tpu.wait_indirect_dma semaphore(%arg8 : memref<!tpu.dma_semaphore, #tpu.memory_space<semaphore_mem>>) src(%dma_wait3A_1068 : memref<1000000x32xf32, #tpu.memory_space<hbm>>) dst(%dma_wait3A_1058 : memref<128x32xf32, #tpu.memory_space<vmem>>)
      %sub3A_1069 = arith.constant 1 : i32
      %sub3A_1070 = arith.subi %add3A_726, %sub3A_1069 : i32
      %mul3A_1071 = arith.constant 1024 : i32
      %mul3A_1072 = arith.muli %sub3A_1070, %mul3A_1071 : i32
      %add3A_1073 = arith.addi %mul3A_4, %mul3A_1072 : i32
      %dma_start3A_1074 = arith.constant 1 : i32
      %dma_start3A_1075 = arith.constant 0 : i32
      %dma_start3A_1076 = arith.constant 0 : i32
      %dma_start3A_1077 = tpu.memref_slice %arg6[%dma_start3A_1074, %dma_start3A_1075, %dma_start3A_1076] : memref<2x1024x32xf32, #tpu.memory_space<vmem>> -> memref<1x1024x32xf32, #tpu.memory_space<vmem>>
      %dma_start3A_1078 = tpu.memref_squeeze %dma_start3A_1077 : memref<1x1024x32xf32, #tpu.memory_space<vmem>> -> memref<1024x32xf32, #tpu.memory_space<vmem>>
      %dma_start3A_1079 = arith.constant 0 : i32
      %dma_start3A_1080 = tpu.memref_slice %arg4[%add3A_1073, %dma_start3A_1079] : memref<819200x32xf32, #tpu.memory_space<hbm>> -> memref<1024x32xf32, #tpu.memory_space<hbm>>
      %dma_start3A_1081 = arith.constant 0 : i32
      %dma_start3A_1082 = tpu.memref_slice %arg4[%add3A_1073, %dma_start3A_1081] : memref<819200x32xf32, #tpu.memory_space<hbm>> -> memref<1024x32xf32, #tpu.memory_space<hbm>>
      %dma_start3A_1083 = arith.constant 0 : i32
      %dma_start3A_1084 = arith.constant 0 : i32
      %dma_start3A_1085 = tpu.memref_slice %arg6[%dma_start3A_1074, %dma_start3A_1083, %dma_start3A_1084] : memref<2x1024x32xf32, #tpu.memory_space<vmem>> -> memref<1x1024x32xf32, #tpu.memory_space<vmem>>
      %dma_start3A_1086 = tpu.memref_squeeze %dma_start3A_1085 : memref<1x1024x32xf32, #tpu.memory_space<vmem>> -> memref<1024x32xf32, #tpu.memory_space<vmem>>
      tpu.enqueue_dma source(%dma_start3A_1086 : memref<1024x32xf32, #tpu.memory_space<vmem>>) target(%dma_start3A_1082 : memref<1024x32xf32, #tpu.memory_space<hbm>>) target_semaphore(%arg10 : memref<!tpu.dma_semaphore, #tpu.memory_space<semaphore_mem>>)
      %scan3A_1087 = arith.constant 0 : i32
      scf.yield %scan3A_1087 : i32
    }
    %scan3A_171 = arith.constant 12 : i32
    %dma_wait3A = arith.constant 0 : i32
    %dma_wait3A_172 = arith.constant 0 : i32
    %dma_wait3A_173 = arith.constant 0 : i32
    %dma_wait3A_174 = arith.constant 0 : i32
    %dma_wait3A_175 = arith.constant 0 : i32
    %dma_wait3A_176 = tpu.memref_slice %arg6[%dma_wait3A_173, %dma_wait3A_174, %dma_wait3A_175] : memref<2x1024x32xf32, #tpu.memory_space<vmem>> -> memref<1x1024x32xf32, #tpu.memory_space<vmem>>
    %dma_wait3A_177 = tpu.memref_squeeze %dma_wait3A_176 : memref<1x1024x32xf32, #tpu.memory_space<vmem>> -> memref<1024x32xf32, #tpu.memory_space<vmem>>
    %dma_wait3A_178 = arith.constant 0 : i32
    %dma_wait3A_179 = arith.constant 0 : i32
    %dma_wait3A_180 = tpu.memref_slice %dma_wait3A_177[%dma_wait3A_178, %dma_wait3A_179] : memref<1024x32xf32, #tpu.memory_space<vmem>> -> memref<128x32xf32, #tpu.memory_space<vmem>>
    %dma_wait3A_181 = arith.constant 0 : i32
    %dma_wait3A_182 = arith.constant 0 : i32
    %dma_wait3A_183 = tpu.memref_slice %arg5[%dma_wait3A, %dma_wait3A_181, %dma_wait3A_182] : memref<2x8x128xi32, #tpu.memory_space<vmem>> -> memref<1x8x128xi32, #tpu.memory_space<vmem>>
    %dma_wait3A_184 = tpu.memref_squeeze %dma_wait3A_183 : memref<1x8x128xi32, #tpu.memory_space<vmem>> -> memref<8x128xi32, #tpu.memory_space<vmem>>
    %dma_wait3A_185 = arith.constant 0 : i32
    %dma_wait3A_186 = tpu.memref_slice %dma_wait3A_184[%dma_wait3A_172, %dma_wait3A_185] : memref<8x128xi32, #tpu.memory_space<vmem>> -> memref<1x128xi32, #tpu.memory_space<vmem>>
    %dma_wait3A_187 = tpu.memref_squeeze %dma_wait3A_186 : memref<1x128xi32, #tpu.memory_space<vmem>> -> memref<128xi32, #tpu.memory_space<vmem>>
    %dma_wait3A_188 = arith.constant 0 : i32
    %dma_wait3A_189 = arith.constant 0 : i32
    %dma_wait3A_190 = tpu.memref_slice %arg3[%dma_wait3A_188, %dma_wait3A_189] : memref<1000000x32xf32, #tpu.memory_space<hbm>> -> memref<1000000x32xf32, #tpu.memory_space<hbm>>
    tpu.wait_indirect_dma semaphore(%arg7 : memref<!tpu.dma_semaphore, #tpu.memory_space<semaphore_mem>>) src(%dma_wait3A_190 : memref<1000000x32xf32, #tpu.memory_space<hbm>>) dst(%dma_wait3A_180 : memref<128x32xf32, #tpu.memory_space<vmem>>)
    %dma_wait3A_191 = arith.constant 0 : i32
    %dma_wait3A_192 = arith.constant 1 : i32
    %dma_wait3A_193 = arith.constant 0 : i32
    %dma_wait3A_194 = arith.constant 0 : i32
    %dma_wait3A_195 = arith.constant 0 : i32
    %dma_wait3A_196 = tpu.memref_slice %arg6[%dma_wait3A_193, %dma_wait3A_194, %dma_wait3A_195] : memref<2x1024x32xf32, #tpu.memory_space<vmem>> -> memref<1x1024x32xf32, #tpu.memory_space<vmem>>
    %dma_wait3A_197 = tpu.memref_squeeze %dma_wait3A_196 : memref<1x1024x32xf32, #tpu.memory_space<vmem>> -> memref<1024x32xf32, #tpu.memory_space<vmem>>
    %dma_wait3A_198 = arith.constant 128 : i32
    %dma_wait3A_199 = arith.constant 0 : i32
    %dma_wait3A_200 = tpu.memref_slice %dma_wait3A_197[%dma_wait3A_198, %dma_wait3A_199] : memref<1024x32xf32, #tpu.memory_space<vmem>> -> memref<128x32xf32, #tpu.memory_space<vmem>>
    %dma_wait3A_201 = arith.constant 0 : i32
    %dma_wait3A_202 = arith.constant 0 : i32
    %dma_wait3A_203 = tpu.memref_slice %arg5[%dma_wait3A_191, %dma_wait3A_201, %dma_wait3A_202] : memref<2x8x128xi32, #tpu.memory_space<vmem>> -> memref<1x8x128xi32, #tpu.memory_space<vmem>>
    %dma_wait3A_204 = tpu.memref_squeeze %dma_wait3A_203 : memref<1x8x128xi32, #tpu.memory_space<vmem>> -> memref<8x128xi32, #tpu.memory_space<vmem>>
    %dma_wait3A_205 = arith.constant 0 : i32
    %dma_wait3A_206 = tpu.memref_slice %dma_wait3A_204[%dma_wait3A_192, %dma_wait3A_205] : memref<8x128xi32, #tpu.memory_space<vmem>> -> memref<1x128xi32, #tpu.memory_space<vmem>>
    %dma_wait3A_207 = tpu.memref_squeeze %dma_wait3A_206 : memref<1x128xi32, #tpu.memory_space<vmem>> -> memref<128xi32, #tpu.memory_space<vmem>>
    %dma_wait3A_208 = arith.constant 0 : i32
    %dma_wait3A_209 = arith.constant 0 : i32
    %dma_wait3A_210 = tpu.memref_slice %arg3[%dma_wait3A_208, %dma_wait3A_209] : memref<1000000x32xf32, #tpu.memory_space<hbm>> -> memref<1000000x32xf32, #tpu.memory_space<hbm>>
    tpu.wait_indirect_dma semaphore(%arg7 : memref<!tpu.dma_semaphore, #tpu.memory_space<semaphore_mem>>) src(%dma_wait3A_210 : memref<1000000x32xf32, #tpu.memory_space<hbm>>) dst(%dma_wait3A_200 : memref<128x32xf32, #tpu.memory_space<vmem>>)
    %dma_wait3A_211 = arith.constant 0 : i32
    %dma_wait3A_212 = arith.constant 2 : i32
    %dma_wait3A_213 = arith.constant 0 : i32
    %dma_wait3A_214 = arith.constant 0 : i32
    %dma_wait3A_215 = arith.constant 0 : i32
    %dma_wait3A_216 = tpu.memref_slice %arg6[%dma_wait3A_213, %dma_wait3A_214, %dma_wait3A_215] : memref<2x1024x32xf32, #tpu.memory_space<vmem>> -> memref<1x1024x32xf32, #tpu.memory_space<vmem>>
    %dma_wait3A_217 = tpu.memref_squeeze %dma_wait3A_216 : memref<1x1024x32xf32, #tpu.memory_space<vmem>> -> memref<1024x32xf32, #tpu.memory_space<vmem>>
    %dma_wait3A_218 = arith.constant 256 : i32
    %dma_wait3A_219 = arith.constant 0 : i32
    %dma_wait3A_220 = tpu.memref_slice %dma_wait3A_217[%dma_wait3A_218, %dma_wait3A_219] : memref<1024x32xf32, #tpu.memory_space<vmem>> -> memref<128x32xf32, #tpu.memory_space<vmem>>
    %dma_wait3A_221 = arith.constant 0 : i32
    %dma_wait3A_222 = arith.constant 0 : i32
    %dma_wait3A_223 = tpu.memref_slice %arg5[%dma_wait3A_211, %dma_wait3A_221, %dma_wait3A_222] : memref<2x8x128xi32, #tpu.memory_space<vmem>> -> memref<1x8x128xi32, #tpu.memory_space<vmem>>
    %dma_wait3A_224 = tpu.memref_squeeze %dma_wait3A_223 : memref<1x8x128xi32, #tpu.memory_space<vmem>> -> memref<8x128xi32, #tpu.memory_space<vmem>>
    %dma_wait3A_225 = arith.constant 0 : i32
    %dma_wait3A_226 = tpu.memref_slice %dma_wait3A_224[%dma_wait3A_212, %dma_wait3A_225] : memref<8x128xi32, #tpu.memory_space<vmem>> -> memref<1x128xi32, #tpu.memory_space<vmem>>
    %dma_wait3A_227 = tpu.memref_squeeze %dma_wait3A_226 : memref<1x128xi32, #tpu.memory_space<vmem>> -> memref<128xi32, #tpu.memory_space<vmem>>
    %dma_wait3A_228 = arith.constant 0 : i32
    %dma_wait3A_229 = arith.constant 0 : i32
    %dma_wait3A_230 = tpu.memref_slice %arg3[%dma_wait3A_228, %dma_wait3A_229] : memref<1000000x32xf32, #tpu.memory_space<hbm>> -> memref<1000000x32xf32, #tpu.memory_space<hbm>>
    tpu.wait_indirect_dma semaphore(%arg7 : memref<!tpu.dma_semaphore, #tpu.memory_space<semaphore_mem>>) src(%dma_wait3A_230 : memref<1000000x32xf32, #tpu.memory_space<hbm>>) dst(%dma_wait3A_220 : memref<128x32xf32, #tpu.memory_space<vmem>>)
    %dma_wait3A_231 = arith.constant 0 : i32
    %dma_wait3A_232 = arith.constant 3 : i32
    %dma_wait3A_233 = arith.constant 0 : i32
    %dma_wait3A_234 = arith.constant 0 : i32
    %dma_wait3A_235 = arith.constant 0 : i32
    %dma_wait3A_236 = tpu.memref_slice %arg6[%dma_wait3A_233, %dma_wait3A_234, %dma_wait3A_235] : memref<2x1024x32xf32, #tpu.memory_space<vmem>> -> memref<1x1024x32xf32, #tpu.memory_space<vmem>>
    %dma_wait3A_237 = tpu.memref_squeeze %dma_wait3A_236 : memref<1x1024x32xf32, #tpu.memory_space<vmem>> -> memref<1024x32xf32, #tpu.memory_space<vmem>>
    %dma_wait3A_238 = arith.constant 384 : i32
    %dma_wait3A_239 = arith.constant 0 : i32
    %dma_wait3A_240 = tpu.memref_slice %dma_wait3A_237[%dma_wait3A_238, %dma_wait3A_239] : memref<1024x32xf32, #tpu.memory_space<vmem>> -> memref<128x32xf32, #tpu.memory_space<vmem>>
    %dma_wait3A_241 = arith.constant 0 : i32
    %dma_wait3A_242 = arith.constant 0 : i32
    %dma_wait3A_243 = tpu.memref_slice %arg5[%dma_wait3A_231, %dma_wait3A_241, %dma_wait3A_242] : memref<2x8x128xi32, #tpu.memory_space<vmem>> -> memref<1x8x128xi32, #tpu.memory_space<vmem>>
    %dma_wait3A_244 = tpu.memref_squeeze %dma_wait3A_243 : memref<1x8x128xi32, #tpu.memory_space<vmem>> -> memref<8x128xi32, #tpu.memory_space<vmem>>
    %dma_wait3A_245 = arith.constant 0 : i32
    %dma_wait3A_246 = tpu.memref_slice %dma_wait3A_244[%dma_wait3A_232, %dma_wait3A_245] : memref<8x128xi32, #tpu.memory_space<vmem>> -> memref<1x128xi32, #tpu.memory_space<vmem>>
    %dma_wait3A_247 = tpu.memref_squeeze %dma_wait3A_246 : memref<1x128xi32, #tpu.memory_space<vmem>> -> memref<128xi32, #tpu.memory_space<vmem>>
    %dma_wait3A_248 = arith.constant 0 : i32
    %dma_wait3A_249 = arith.constant 0 : i32
    %dma_wait3A_250 = tpu.memref_slice %arg3[%dma_wait3A_248, %dma_wait3A_249] : memref<1000000x32xf32, #tpu.memory_space<hbm>> -> memref<1000000x32xf32, #tpu.memory_space<hbm>>
    tpu.wait_indirect_dma semaphore(%arg7 : memref<!tpu.dma_semaphore, #tpu.memory_space<semaphore_mem>>) src(%dma_wait3A_250 : memref<1000000x32xf32, #tpu.memory_space<hbm>>) dst(%dma_wait3A_240 : memref<128x32xf32, #tpu.memory_space<vmem>>)
    %dma_wait3A_251 = arith.constant 0 : i32
    %dma_wait3A_252 = arith.constant 4 : i32
    %dma_wait3A_253 = arith.constant 0 : i32
    %dma_wait3A_254 = arith.constant 0 : i32
    %dma_wait3A_255 = arith.constant 0 : i32
    %dma_wait3A_256 = tpu.memref_slice %arg6[%dma_wait3A_253, %dma_wait3A_254, %dma_wait3A_255] : memref<2x1024x32xf32, #tpu.memory_space<vmem>> -> memref<1x1024x32xf32, #tpu.memory_space<vmem>>
    %dma_wait3A_257 = tpu.memref_squeeze %dma_wait3A_256 : memref<1x1024x32xf32, #tpu.memory_space<vmem>> -> memref<1024x32xf32, #tpu.memory_space<vmem>>
    %dma_wait3A_258 = arith.constant 512 : i32
    %dma_wait3A_259 = arith.constant 0 : i32
    %dma_wait3A_260 = tpu.memref_slice %dma_wait3A_257[%dma_wait3A_258, %dma_wait3A_259] : memref<1024x32xf32, #tpu.memory_space<vmem>> -> memref<128x32xf32, #tpu.memory_space<vmem>>
    %dma_wait3A_261 = arith.constant 0 : i32
    %dma_wait3A_262 = arith.constant 0 : i32
    %dma_wait3A_263 = tpu.memref_slice %arg5[%dma_wait3A_251, %dma_wait3A_261, %dma_wait3A_262] : memref<2x8x128xi32, #tpu.memory_space<vmem>> -> memref<1x8x128xi32, #tpu.memory_space<vmem>>
    %dma_wait3A_264 = tpu.memref_squeeze %dma_wait3A_263 : memref<1x8x128xi32, #tpu.memory_space<vmem>> -> memref<8x128xi32, #tpu.memory_space<vmem>>
    %dma_wait3A_265 = arith.constant 0 : i32
    %dma_wait3A_266 = tpu.memref_slice %dma_wait3A_264[%dma_wait3A_252, %dma_wait3A_265] : memref<8x128xi32, #tpu.memory_space<vmem>> -> memref<1x128xi32, #tpu.memory_space<vmem>>
    %dma_wait3A_267 = tpu.memref_squeeze %dma_wait3A_266 : memref<1x128xi32, #tpu.memory_space<vmem>> -> memref<128xi32, #tpu.memory_space<vmem>>
    %dma_wait3A_268 = arith.constant 0 : i32
    %dma_wait3A_269 = arith.constant 0 : i32
    %dma_wait3A_270 = tpu.memref_slice %arg3[%dma_wait3A_268, %dma_wait3A_269] : memref<1000000x32xf32, #tpu.memory_space<hbm>> -> memref<1000000x32xf32, #tpu.memory_space<hbm>>
    tpu.wait_indirect_dma semaphore(%arg7 : memref<!tpu.dma_semaphore, #tpu.memory_space<semaphore_mem>>) src(%dma_wait3A_270 : memref<1000000x32xf32, #tpu.memory_space<hbm>>) dst(%dma_wait3A_260 : memref<128x32xf32, #tpu.memory_space<vmem>>)
    %dma_wait3A_271 = arith.constant 0 : i32
    %dma_wait3A_272 = arith.constant 5 : i32
    %dma_wait3A_273 = arith.constant 0 : i32
    %dma_wait3A_274 = arith.constant 0 : i32
    %dma_wait3A_275 = arith.constant 0 : i32
    %dma_wait3A_276 = tpu.memref_slice %arg6[%dma_wait3A_273, %dma_wait3A_274, %dma_wait3A_275] : memref<2x1024x32xf32, #tpu.memory_space<vmem>> -> memref<1x1024x32xf32, #tpu.memory_space<vmem>>
    %dma_wait3A_277 = tpu.memref_squeeze %dma_wait3A_276 : memref<1x1024x32xf32, #tpu.memory_space<vmem>> -> memref<1024x32xf32, #tpu.memory_space<vmem>>
    %dma_wait3A_278 = arith.constant 640 : i32
    %dma_wait3A_279 = arith.constant 0 : i32
    %dma_wait3A_280 = tpu.memref_slice %dma_wait3A_277[%dma_wait3A_278, %dma_wait3A_279] : memref<1024x32xf32, #tpu.memory_space<vmem>> -> memref<128x32xf32, #tpu.memory_space<vmem>>
    %dma_wait3A_281 = arith.constant 0 : i32
    %dma_wait3A_282 = arith.constant 0 : i32
    %dma_wait3A_283 = tpu.memref_slice %arg5[%dma_wait3A_271, %dma_wait3A_281, %dma_wait3A_282] : memref<2x8x128xi32, #tpu.memory_space<vmem>> -> memref<1x8x128xi32, #tpu.memory_space<vmem>>
    %dma_wait3A_284 = tpu.memref_squeeze %dma_wait3A_283 : memref<1x8x128xi32, #tpu.memory_space<vmem>> -> memref<8x128xi32, #tpu.memory_space<vmem>>
    %dma_wait3A_285 = arith.constant 0 : i32
    %dma_wait3A_286 = tpu.memref_slice %dma_wait3A_284[%dma_wait3A_272, %dma_wait3A_285] : memref<8x128xi32, #tpu.memory_space<vmem>> -> memref<1x128xi32, #tpu.memory_space<vmem>>
    %dma_wait3A_287 = tpu.memref_squeeze %dma_wait3A_286 : memref<1x128xi32, #tpu.memory_space<vmem>> -> memref<128xi32, #tpu.memory_space<vmem>>
    %dma_wait3A_288 = arith.constant 0 : i32
    %dma_wait3A_289 = arith.constant 0 : i32
    %dma_wait3A_290 = tpu.memref_slice %arg3[%dma_wait3A_288, %dma_wait3A_289] : memref<1000000x32xf32, #tpu.memory_space<hbm>> -> memref<1000000x32xf32, #tpu.memory_space<hbm>>
    tpu.wait_indirect_dma semaphore(%arg7 : memref<!tpu.dma_semaphore, #tpu.memory_space<semaphore_mem>>) src(%dma_wait3A_290 : memref<1000000x32xf32, #tpu.memory_space<hbm>>) dst(%dma_wait3A_280 : memref<128x32xf32, #tpu.memory_space<vmem>>)
    %dma_wait3A_291 = arith.constant 0 : i32
    %dma_wait3A_292 = arith.constant 6 : i32
    %dma_wait3A_293 = arith.constant 0 : i32
    %dma_wait3A_294 = arith.constant 0 : i32
    %dma_wait3A_295 = arith.constant 0 : i32
    %dma_wait3A_296 = tpu.memref_slice %arg6[%dma_wait3A_293, %dma_wait3A_294, %dma_wait3A_295] : memref<2x1024x32xf32, #tpu.memory_space<vmem>> -> memref<1x1024x32xf32, #tpu.memory_space<vmem>>
    %dma_wait3A_297 = tpu.memref_squeeze %dma_wait3A_296 : memref<1x1024x32xf32, #tpu.memory_space<vmem>> -> memref<1024x32xf32, #tpu.memory_space<vmem>>
    %dma_wait3A_298 = arith.constant 768 : i32
    %dma_wait3A_299 = arith.constant 0 : i32
    %dma_wait3A_300 = tpu.memref_slice %dma_wait3A_297[%dma_wait3A_298, %dma_wait3A_299] : memref<1024x32xf32, #tpu.memory_space<vmem>> -> memref<128x32xf32, #tpu.memory_space<vmem>>
    %dma_wait3A_301 = arith.constant 0 : i32
    %dma_wait3A_302 = arith.constant 0 : i32
    %dma_wait3A_303 = tpu.memref_slice %arg5[%dma_wait3A_291, %dma_wait3A_301, %dma_wait3A_302] : memref<2x8x128xi32, #tpu.memory_space<vmem>> -> memref<1x8x128xi32, #tpu.memory_space<vmem>>
    %dma_wait3A_304 = tpu.memref_squeeze %dma_wait3A_303 : memref<1x8x128xi32, #tpu.memory_space<vmem>> -> memref<8x128xi32, #tpu.memory_space<vmem>>
    %dma_wait3A_305 = arith.constant 0 : i32
    %dma_wait3A_306 = tpu.memref_slice %dma_wait3A_304[%dma_wait3A_292, %dma_wait3A_305] : memref<8x128xi32, #tpu.memory_space<vmem>> -> memref<1x128xi32, #tpu.memory_space<vmem>>
    %dma_wait3A_307 = tpu.memref_squeeze %dma_wait3A_306 : memref<1x128xi32, #tpu.memory_space<vmem>> -> memref<128xi32, #tpu.memory_space<vmem>>
    %dma_wait3A_308 = arith.constant 0 : i32
    %dma_wait3A_309 = arith.constant 0 : i32
    %dma_wait3A_310 = tpu.memref_slice %arg3[%dma_wait3A_308, %dma_wait3A_309] : memref<1000000x32xf32, #tpu.memory_space<hbm>> -> memref<1000000x32xf32, #tpu.memory_space<hbm>>
    tpu.wait_indirect_dma semaphore(%arg7 : memref<!tpu.dma_semaphore, #tpu.memory_space<semaphore_mem>>) src(%dma_wait3A_310 : memref<1000000x32xf32, #tpu.memory_space<hbm>>) dst(%dma_wait3A_300 : memref<128x32xf32, #tpu.memory_space<vmem>>)
    %dma_wait3A_311 = arith.constant 0 : i32
    %dma_wait3A_312 = arith.constant 7 : i32
    %dma_wait3A_313 = arith.constant 0 : i32
    %dma_wait3A_314 = arith.constant 0 : i32
    %dma_wait3A_315 = arith.constant 0 : i32
    %dma_wait3A_316 = tpu.memref_slice %arg6[%dma_wait3A_313, %dma_wait3A_314, %dma_wait3A_315] : memref<2x1024x32xf32, #tpu.memory_space<vmem>> -> memref<1x1024x32xf32, #tpu.memory_space<vmem>>
    %dma_wait3A_317 = tpu.memref_squeeze %dma_wait3A_316 : memref<1x1024x32xf32, #tpu.memory_space<vmem>> -> memref<1024x32xf32, #tpu.memory_space<vmem>>
    %dma_wait3A_318 = arith.constant 896 : i32
    %dma_wait3A_319 = arith.constant 0 : i32
    %dma_wait3A_320 = tpu.memref_slice %dma_wait3A_317[%dma_wait3A_318, %dma_wait3A_319] : memref<1024x32xf32, #tpu.memory_space<vmem>> -> memref<128x32xf32, #tpu.memory_space<vmem>>
    %dma_wait3A_321 = arith.constant 0 : i32
    %dma_wait3A_322 = arith.constant 0 : i32
    %dma_wait3A_323 = tpu.memref_slice %arg5[%dma_wait3A_311, %dma_wait3A_321, %dma_wait3A_322] : memref<2x8x128xi32, #tpu.memory_space<vmem>> -> memref<1x8x128xi32, #tpu.memory_space<vmem>>
    %dma_wait3A_324 = tpu.memref_squeeze %dma_wait3A_323 : memref<1x8x128xi32, #tpu.memory_space<vmem>> -> memref<8x128xi32, #tpu.memory_space<vmem>>
    %dma_wait3A_325 = arith.constant 0 : i32
    %dma_wait3A_326 = tpu.memref_slice %dma_wait3A_324[%dma_wait3A_312, %dma_wait3A_325] : memref<8x128xi32, #tpu.memory_space<vmem>> -> memref<1x128xi32, #tpu.memory_space<vmem>>
    %dma_wait3A_327 = tpu.memref_squeeze %dma_wait3A_326 : memref<1x128xi32, #tpu.memory_space<vmem>> -> memref<128xi32, #tpu.memory_space<vmem>>
    %dma_wait3A_328 = arith.constant 0 : i32
    %dma_wait3A_329 = arith.constant 0 : i32
    %dma_wait3A_330 = tpu.memref_slice %arg3[%dma_wait3A_328, %dma_wait3A_329] : memref<1000000x32xf32, #tpu.memory_space<hbm>> -> memref<1000000x32xf32, #tpu.memory_space<hbm>>
    tpu.wait_indirect_dma semaphore(%arg7 : memref<!tpu.dma_semaphore, #tpu.memory_space<semaphore_mem>>) src(%dma_wait3A_330 : memref<1000000x32xf32, #tpu.memory_space<hbm>>) dst(%dma_wait3A_320 : memref<128x32xf32, #tpu.memory_space<vmem>>)
    %add3A_331 = arith.constant 24576 : i32
    %add3A_332 = arith.addi %mul3A_4, %add3A_331 : i32
    %dma_start3A_333 = arith.constant 0 : i32
    %dma_start3A_334 = arith.constant 0 : i32
    %dma_start3A_335 = arith.constant 0 : i32
    %dma_start3A_336 = tpu.memref_slice %arg6[%dma_start3A_333, %dma_start3A_334, %dma_start3A_335] : memref<2x1024x32xf32, #tpu.memory_space<vmem>> -> memref<1x1024x32xf32, #tpu.memory_space<vmem>>
    %dma_start3A_337 = tpu.memref_squeeze %dma_start3A_336 : memref<1x1024x32xf32, #tpu.memory_space<vmem>> -> memref<1024x32xf32, #tpu.memory_space<vmem>>
    %dma_start3A_338 = arith.constant 0 : i32
    %dma_start3A_339 = tpu.memref_slice %arg4[%add3A_332, %dma_start3A_338] : memref<819200x32xf32, #tpu.memory_space<hbm>> -> memref<1024x32xf32, #tpu.memory_space<hbm>>
    %dma_start3A_340 = arith.constant 0 : i32
    %dma_start3A_341 = tpu.memref_slice %arg4[%add3A_332, %dma_start3A_340] : memref<819200x32xf32, #tpu.memory_space<hbm>> -> memref<1024x32xf32, #tpu.memory_space<hbm>>
    %dma_start3A_342 = arith.constant 0 : i32
    %dma_start3A_343 = arith.constant 0 : i32
    %dma_start3A_344 = tpu.memref_slice %arg6[%dma_start3A_333, %dma_start3A_342, %dma_start3A_343] : memref<2x1024x32xf32, #tpu.memory_space<vmem>> -> memref<1x1024x32xf32, #tpu.memory_space<vmem>>
    %dma_start3A_345 = tpu.memref_squeeze %dma_start3A_344 : memref<1x1024x32xf32, #tpu.memory_space<vmem>> -> memref<1024x32xf32, #tpu.memory_space<vmem>>
    tpu.enqueue_dma source(%dma_start3A_345 : memref<1024x32xf32, #tpu.memory_space<vmem>>) target(%dma_start3A_341 : memref<1024x32xf32, #tpu.memory_space<hbm>>) target_semaphore(%arg9 : memref<!tpu.dma_semaphore, #tpu.memory_space<semaphore_mem>>)
    %add3A_346 = arith.constant 23552 : i32
    %add3A_347 = arith.addi %mul3A_4, %add3A_346 : i32
    %dma_wait3A_348 = arith.constant 1 : i32
    %dma_wait3A_349 = arith.constant 0 : i32
    %dma_wait3A_350 = arith.constant 0 : i32
    %dma_wait3A_351 = tpu.memref_slice %arg6[%dma_wait3A_348, %dma_wait3A_349, %dma_wait3A_350] : memref<2x1024x32xf32, #tpu.memory_space<vmem>> -> memref<1x1024x32xf32, #tpu.memory_space<vmem>>
    %dma_wait3A_352 = tpu.memref_squeeze %dma_wait3A_351 : memref<1x1024x32xf32, #tpu.memory_space<vmem>> -> memref<1024x32xf32, #tpu.memory_space<vmem>>
    %dma_wait3A_353 = arith.constant 0 : i32
    %dma_wait3A_354 = tpu.memref_slice %arg4[%add3A_347, %dma_wait3A_353] : memref<819200x32xf32, #tpu.memory_space<hbm>> -> memref<1024x32xf32, #tpu.memory_space<hbm>>
    %dma_wait3A_355 = arith.constant 0 : i32
    %dma_wait3A_356 = tpu.memref_slice %arg4[%add3A_347, %dma_wait3A_355] : memref<819200x32xf32, #tpu.memory_space<hbm>> -> memref<1024x32xf32, #tpu.memory_space<hbm>>
    %dma_wait3A_357 = arith.constant 0 : i32
    %dma_wait3A_358 = arith.constant 0 : i32
    %dma_wait3A_359 = tpu.memref_slice %arg6[%dma_wait3A_348, %dma_wait3A_357, %dma_wait3A_358] : memref<2x1024x32xf32, #tpu.memory_space<vmem>> -> memref<1x1024x32xf32, #tpu.memory_space<vmem>>
    %dma_wait3A_360 = tpu.memref_squeeze %dma_wait3A_359 : memref<1x1024x32xf32, #tpu.memory_space<vmem>> -> memref<1024x32xf32, #tpu.memory_space<vmem>>
    tpu.wait_dma2 semaphore(%arg10 : memref<!tpu.dma_semaphore, #tpu.memory_space<semaphore_mem>>) src(%dma_wait3A_360 : memref<1024x32xf32, #tpu.memory_space<vmem>>) dst(%dma_wait3A_356 : memref<1024x32xf32, #tpu.memory_space<hbm>>)
    %add3A_361 = arith.constant 24576 : i32
    %add3A_362 = arith.addi %mul3A_4, %add3A_361 : i32
    %dma_wait3A_363 = arith.constant 0 : i32
    %dma_wait3A_364 = arith.constant 0 : i32
    %dma_wait3A_365 = arith.constant 0 : i32
    %dma_wait3A_366 = tpu.memref_slice %arg6[%dma_wait3A_363, %dma_wait3A_364, %dma_wait3A_365] : memref<2x1024x32xf32, #tpu.memory_space<vmem>> -> memref<1x1024x32xf32, #tpu.memory_space<vmem>>
    %dma_wait3A_367 = tpu.memref_squeeze %dma_wait3A_366 : memref<1x1024x32xf32, #tpu.memory_space<vmem>> -> memref<1024x32xf32, #tpu.memory_space<vmem>>
    %dma_wait3A_368 = arith.constant 0 : i32
    %dma_wait3A_369 = tpu.memref_slice %arg4[%add3A_362, %dma_wait3A_368] : memref<819200x32xf32, #tpu.memory_space<hbm>> -> memref<1024x32xf32, #tpu.memory_space<hbm>>
    %dma_wait3A_370 = arith.constant 0 : i32
    %dma_wait3A_371 = tpu.memref_slice %arg4[%add3A_362, %dma_wait3A_370] : memref<819200x32xf32, #tpu.memory_space<hbm>> -> memref<1024x32xf32, #tpu.memory_space<hbm>>
    %dma_wait3A_372 = arith.constant 0 : i32
    %dma_wait3A_373 = arith.constant 0 : i32
    %dma_wait3A_374 = tpu.memref_slice %arg6[%dma_wait3A_363, %dma_wait3A_372, %dma_wait3A_373] : memref<2x1024x32xf32, #tpu.memory_space<vmem>> -> memref<1x1024x32xf32, #tpu.memory_space<vmem>>
    %dma_wait3A_375 = tpu.memref_squeeze %dma_wait3A_374 : memref<1x1024x32xf32, #tpu.memory_space<vmem>> -> memref<1024x32xf32, #tpu.memory_space<vmem>>
    tpu.wait_dma2 semaphore(%arg9 : memref<!tpu.dma_semaphore, #tpu.memory_space<semaphore_mem>>) src(%dma_wait3A_375 : memref<1024x32xf32, #tpu.memory_space<vmem>>) dst(%dma_wait3A_371 : memref<1024x32xf32, #tpu.memory_space<hbm>>)
    return
  }
}

</mosaic_0001>

<sc_bundles>
// kernel: kernel.3.cloned.1.call-start
scs
__scs_entry_jumppad:
0x0: {  	(pc) =	sbr.rel $0x88, $3  }
0x1: {  	(tag) =	ssettag $0x0;
	lr =	simm.s32 $0x1  }
0x2: {  	[smem:$0x3F9F] =	sst lr;
	_ =	strace $0xD0000000  }
0x3: {  	_ = 	snop  }
0x4: {  	_ = 	snop  }
0x5: {  	_ = 	snop  }
0x6: {  	_ = 	snop  }
0x7: {  	_ = 	snop  }
__scs_overlays_trampoline_lowered:
0x8: {  	[smem:$0x3FAE] =	sst s0  }
0x9: {  	[smem:$0x3FAF] =	sst s1  }
0xa: {  	[smem:$0x3FB0] =	sst s2  }
0xb: {  	[smem:$0x3FB1] =	sst s3  }
0xc: {  	[smem:$0x3FB2] =	sst s4  }
0xd: {  	[smem:$0x3FB3] =	sst s5  }
0xe: {  	[smem:$0x3FB4] =	sst s6  }
0xf: {  	[smem:$0x3FB5] =	sst s7  }
0x10: {  	[smem:$0x3FB6] =	sst s8  }
0x11: {  	[smem:$0x3FB7] =	sst s9;
	s0 =	simm.s32 @!p0 $0x0  }
0x12: {  	s1 =	sld [smem:$0x3F9D];
	s0 =	simm.s32 @p0 $0x1  }
0x13: {  	[smem:$0x3FB8] =	sst s0;
	s0 =	simm.s32 @!p1 $0x0  }
0x14: {  	s2 =	sld [smem:$0x3F9C];
	s0 =	simm.s32 @p1 $0x1  }
0x15: {  	[smem:$0x3FB9] =	sst s0;
	s0 =	simm.s32 @!p2 $0x0  }
0x16: {  	s3 =	sld [smem:$0x3FDB];
	s0 =	simm.s32 @p2 $0x1  }
0x17: {  	s4 =	simm.s32 $0x1BF5;
	[smem:$0x3FBB] =	sst s0  }
0x18: {  	s0 =	sld [smem:$0x3F9E];
	_ =	swait.ge [sflag:s4], $0x0  }
0x19: {  	s7 =	sld [smem:$0x3F9F]  }
0x1a: {  	s8 =	sadd.s32 $0xFFFFE003, lr  }
0x1b: {  	s9 =	sadd.s32 $0xFFFFFEF7, lr;
	s5 =	simm.s32 $0xFFFFFFFF;
	p2 =	slt.u32 s8, $0xFFFFF086  }
0x1c: {  	p1 =	slt.u32 s9, $0xF7A;
	s5 =	simm.s32 @!p2 $0x0  }
0x1d: {  	s5 =	simm.s32 @p1 $0x1;
	p0 =	seq.s32 s7, s2  }
0x1e: {  	s7 =	smul.u32 @!p0 $0xF7A, s2;
	p2 =	seq.s32 @!p0 s5, $0x0  }
0x1f: {  	s9 =	smul.u32 $0xF7A, s1;
	s8 =	simm.s32 @!p0 $0x1BF5;
	p2 =	por !p2, p0  }
0x20: {  	[sflag:s8] =	ssyncset.s32 @!p0 $0xFFFFF086;
	s6 =	sadd.s32 @!p0 s3, s7;
	s7 =	simm.s32 @!p0 $0x108  }
0x21: {  	s3 =	sadd.s32 s3, s9;
	s6 =	sadd.s32 @!p0 $0x88, s6;
	s7 =	simm.s32 @p2 $0x1082  }
0x22: {  	[simem:s7], [sflag:s8] =	dma.local @!p0 [hbm:s6], $0xF7A  }
0x23: {  	s9 =	sor.u32 $0xD0000000, s2;
	s6 =	simm.s32 $0x108;
	_ =	swait.ge @!p0 [sflag:s8], $0x0  }
0x24: {  	s3 =	sadd.s32 $0x88, s3;
	s6 =	simm.s32 @!p1 $0x1082;
	[sflag:s4] =	ssyncset.s32 $0xFFFFF086  }
0x25: {  	[simem:s6], [sflag:s4] =	dma.local [hbm:s3], $0xF7A  }
0x26: {  	[smem:$0x3F9F] =	sst s1;
	(tag) =	ssettag s2;
	_ =	strace s9  }
0x27: {  	s1 =	sld [smem:$0x3FAF]  }
0x28: {  	s2 =	sld [smem:$0x3FB0]  }
0x29: {  	s4 =	sld [smem:$0x3FB2]  }
0x2a: {  	p0 =	seq.s32 s5, $0x0;
	s5 =	sld [smem:$0x3FB3]  }
0x2b: {  	s6 =	sld [smem:$0x3FB4]  }
0x2c: {  	s7 =	sld [smem:$0x3FB5]  }
0x2d: {  	s3 =	simm.s32 $0x108;
	s8 =	sld [smem:$0x3FB6]  }
0x2e: {  	s3 =	simm.s32 @!p0 $0x1082;
	s9 =	sld [smem:$0x3FB7]  }
0x2f: {  	lr =	sadd.s32 s0, s3;
	s0 =	sld [smem:$0x3FAE]  }
0x30: {  	s3 =	sld [smem:$0x3FB1]  }
0x31: {  	[smem:$0x3FBA] =	sst s10  }
0x32: {  	s10 =	sld [smem:$0x3FB8];
	_ =	sdelay $0x3  }
0x33: {  	p0 =	seq.s32 s10, $0x1;
	s10 =	sld [smem:$0x3FBA];
	_ =	sdelay $0x3  }
0x34: {  	[smem:$0x3FBA] =	sst s10  }
0x35: {  	s10 =	sld [smem:$0x3FB9];
	_ =	sdelay $0x3  }
0x36: {  	p1 =	seq.s32 s10, $0x1;
	s10 =	sld [smem:$0x3FBA];
	_ =	sdelay $0x3  }
0x37: {  	[smem:$0x3FBA] =	sst s10  }
0x38: {  	s10 =	sld [smem:$0x3FBB]  }
0x39: {  	_ = 	snop;
	(pc) =	sbr.ind lr, $3  }
0x3a: {  	_ = 	snop  }
0x3b: {  	_ = 	snop  }
0x3c: {  	p2 =	seq.s32 s10, $0x1;
	s10 =	sld [smem:$0x3FBA]  }
0x3d: {  	_ =	shalt  }
0x3e: {  	_ =	shalt  }
0x3f: {  	_ =	shalt  }
0x40: {  	_ =	shalt  }
0x41: {  	_ =	shalt  }
0x42: {  	_ =	shalt  }
0x43: {  	_ =	shalt  }
0x44: {  	_ =	shalt  }
0x45: {  	_ =	shalt  }
0x46: {  	_ =	shalt  }
0x47: {  	_ =	shalt  }
0x48: {  	_ =	shalt  }
0x49: {  	_ =	shalt  }
0x4a: {  	_ =	shalt  }
0x4b: {  	_ =	shalt  }
0x4c: {  	_ =	shalt  }
0x4d: {  	_ =	shalt  }
0x4e: {  	_ =	shalt  }
0x4f: {  	_ =	shalt  }
0x50: {  	_ =	shalt  }
0x51: {  	_ =	shalt  }
0x52: {  	_ =	shalt  }
0x53: {  	_ =	shalt  }
0x54: {  	_ =	shalt  }
0x55: {  	_ =	shalt  }
0x56: {  	_ =	shalt  }
0x57: {  	_ =	shalt  }
0x58: {  	_ =	shalt  }
0x59: {  	_ =	shalt  }
0x5a: {  	_ =	shalt  }
0x5b: {  	_ =	shalt  }
0x5c: {  	_ =	shalt  }
0x5d: {  	_ =	shalt  }
0x5e: {  	_ =	shalt  }
0x5f: {  	_ =	shalt  }
0x60: {  	_ =	shalt  }
0x61: {  	_ =	shalt  }
0x62: {  	_ =	shalt  }
0x63: {  	_ =	shalt  }
0x64: {  	_ =	shalt  }
0x65: {  	_ =	shalt  }
0x66: {  	_ =	shalt  }
0x67: {  	_ =	shalt  }
0x68: {  	_ =	shalt  }
0x69: {  	_ =	shalt  }
0x6a: {  	_ =	shalt  }
0x6b: {  	_ =	shalt  }
0x6c: {  	_ =	shalt  }
0x6d: {  	_ =	shalt  }
0x6e: {  	_ =	shalt  }
0x6f: {  	_ =	shalt  }
0x70: {  	_ =	shalt  }
0x71: {  	_ =	shalt  }
0x72: {  	_ =	shalt  }
0x73: {  	_ =	shalt  }
0x74: {  	_ =	shalt  }
0x75: {  	_ =	shalt  }
0x76: {  	_ =	shalt  }
0x77: {  	_ =	shalt  }
0x78: {  	_ =	shalt  }
0x79: {  	_ =	shalt  }
0x7a: {  	_ =	shalt  }
0x7b: {  	_ =	shalt  }
0x7c: {  	_ =	shalt  }
0x7d: {  	_ =	shalt  }
0x7e: {  	_ =	shalt  }
0x7f: {  	_ =	shalt  }
0x80: {  	_ =	shalt  }
0x81: {  	_ =	shalt  }
0x82: {  	_ =	shalt  }
0x83: {  	_ =	shalt  }
0x84: {  	_ =	shalt  }
0x85: {  	_ =	shalt  }
0x86: {  	_ =	shalt  }
0x87: {  	_ =	shalt  }
.Lfunc_end0:
.L_simem_size_0:
called_computation.2_lowered:
.L_overlay_start_0:
0x88: {  	s2 =	sld [smem:$0x3FD9]  }
0x89: {  	s3 =	sld [smem:$0x3FFE];
	_ =	sdelay $0x1  }
0x8a: {  	s1 =	srdreg.scid  }
0x8b: {  	s0 =	sand.u32 $0x1, s1  }
0x8c: {  	s17 =	sshll.u32 s0, $0xA;
	s2 =	sadd.s32 s3, s2  }
0x8d: {  	s2 =	sadd.s32 s2, s17  }
0x8e: {  	[smem:$0x3FC6] =	sst s2  }
0x8f: {  	_ = 	snop  }
0x90: {  	s2 =	sld [smem:$0x3FD0];
	(tm) =	ssettm $0x1  }
0x91: {  	s18 =	sld [smem:$0x3FFB];
	_ =	sdelay $0x3  }
0x92: {  	_ =	strace s18  }
0x93: {  	s3 =	sld [smem:$0x3FFC];
	_ =	sdelay $0x3  }
0x94: {  	_ =	strace s3  }
0x95: {  	s3 =	sld [smem:$0x3FFD];
	_ =	sdelay $0x3  }
0x96: {  	_ =	strace s3  }
0x97: {  	_ =	strace $0x8FFFFFFF  }
0x98: {  	s19 =	sld [smem:$0x3FDB];
	_ =	sdelay $0x1  }
0x99: {  	s4 =	simm.s32 $_scs_section_size  }
0x9a: {  	s5 =	simm.s32 $_size__tile_overlayer_lowered;
	s6 =	simm.s32 $_tile_overlayer_lowered  }
0x9b: {  	s22 =	simm.s32 $0x1BFF;
	s21 =	sshll.u32 s6, $0x1;
	s3 =	sadd.s32 s4, s19  }
0x9c: {  	s7 =	simm.s32 $0x0;
	s20 =	sshll.u32 s5, $0x1;
	s5 =	sadd.s32 s21, s3  }
0x9d: {  	[timem:s7], [sflag:s22] =	dma.local [hbm:s5], s20  }
0x9e: {  	_ =	swait.ge [sflag:s22], s20  }
0x9f: {  	s4 =	ssub.s32 $0x0, s20;
	[sflag:s22] =	ssyncset.done $0x0  }
0xa0: {  	[sflag:s22] =	ssyncadd.s32 s4;
	_ =	sdelay $0x1  }
0xa1: {  	s23 =	simm.s32 $0x1B8B  }
0xa2: {  	_ =	swait.ge [sflag:s23], $0x1  }
0xa3: {  	[sflag:s23] =	ssyncset.done $0x0  }
0xa4: {  	s25 =	simm.s32 $0x1B8E;
	s24 =	sld [smem:$0x3FFE];
	[sflag:s23] =	ssyncadd.s32 $0xFFFFFFFF  }
0xa5: {  	s26 =	simm.s32 $execute0_lowered;
	[smem:$0x3FD2] =	sst s25  }
0xa6: {  	s5 =	sshll.u32 s26, $0x1;
	_ =	strace $0x80000046;
	[dreg:$0x1] =	wrdreg $0xFFFFFFFF  }
0xa7: {  	s28 =	simm.s32 $_size_execute0_lowered;
	s3 =	sadd.s32 s3, s5;
	[dreg:$0x0] =	wrdreg $0x0  }
0xa8: {  	s5 =	sshll.u32 s28, $0x1;
	[dreg:$0x2] =	wrdreg s3  }
0xa9: {  	[dreg:$0x3] =	wrdreg s5  }
0xaa: {  	[dreg:$0x4] =	wrdreg $0xC0  }
0xab: {  	_ =	task [dreg:s7], $0x5FFFF  }
0xac: {  	[dreg:$0x1] =	wrdreg $0xFFFFFFFF  }
0xad: {  	[dreg:$0x0] =	wrdreg $0x60  }
0xae: {  	[dreg:$0x2] =	wrdreg s24  }
0xaf: {  	[dreg:$0x3] =	wrdreg s2  }
0xb0: {  	[dreg:$0x4] =	wrdreg $0x9  }
0xb1: {  	_ =	task.clear_ibuf [dreg:s7], $0x5FFFF;
	_ =	strace $0x90000046  }
0xb2: {  	s29 =	simm.s32 $0x9;
	_ =	strace $0x80000048  }
0xb3: {  	_ =	swait.ge [sflag:s29], $0x1  }
0xb4: {  	[sflag:s29] =	ssyncadd.s32 $0xFFFFFFFF  }
0xb5: {  	_ =	strace $0x90000048  }
0xb6: {  	_ =	sfence  }
0xb7: {  	s30 =	sld [smem:$0x0];
	_ =	sdelay $0x2  }
0xb8: {  	s31 =	sshll.u32 s1, $0xD;
	s1 =	sshrl.u32 s1, $0x2  }
0xb9: {  	s3 =	sand.u32 $0x4000, s31;
	s1 =	sadd.s32 s1, s30  }
0xba: {  	s0 =	sor.u32 s3, s0;
	s1 =	sshll.u32 s1, $0x11  }
0xbb: {  	s0 =	sor.u32 s1, s0  }
0xbc: {  	s0 =	sadd.s32 $0x8F2B, s0  }
0xbd: {  	[sflag:s0] =	ssyncadd.remote.s32 $0x1  }
0xbe: {  	_ =	sfence.sel $0xFFFF  }
0xbf: {  	[dreg:$0x0] =	wrdreg $0xFFFFFFFF;
	(pc) =	sbr.abs _section_cstart, $3  }
0xc0: {  	[dreg:$0x1] =	wrdreg $0xFFFFFFFF  }
0xc1: {  	_ =	task.clear_ibuf [dreg:s7], $0x2FFFF;
	_ =	strace $0x9FFFFFFF  }
0xc2: {  	(tm) =	ssettm $0x7FFFFFFF  }
0xc3: {  	_ =	shalt  }
tec
execute0_lowered:
.L_overlay_start_1:
0x0: {  	(tag) =	ssettag $0x1  }
0x1: {  	s0 =	srdreg.scid;
	s1 =	rddreg [dreg:$0x0]  }
0x2: {  	s12 =	stileid.u32;
	s4 =	rddreg [dreg:$0x1];
	s14 =	simm.s32 $0x480  }
0x3: {  	s15 =	simm.s32 $0x9800;
	s16 =	simm.s32 $0x500;
	s17 =	simm.s32 $0xA800  }
0x4: {  	s18 =	simm.s32 $0x580;
	s19 =	simm.s32 $0xB800;
	s20 =	simm.s32 $0x600  }
0x5: {  	s21 =	simm.s32 $0xC800;
	s22 =	simm.s32 $0x680;
	s7 =	smul.u32 $0x1900, s12  }
0x6: {  	s28 =	simm.s32 $0x1;
	s29 =	simm.s32 $0x3;
	s11 =	smul.u32 $0x190000, s12  }
0x7: {  	s30 =	simm.s32 $0x2;
	s0 =	sand.u32 $0x1, s0;
	s24 =	smul.u32 $0xC800, s12  }
0x8: {  	s2 =	sshll.u32 s12, $0x1;
	s8 =	sadd.s32 $0xE00, s1;
	s10 =	smul.u32 $0xC80, s0  }
0x9: {  	s3 =	sor.u32 s0, s2;
	s2 =	simm.s32 $0x0;
	s26 =	smul.u32 $0x6400, s0  }
0xa: {  	s9 =	ssub.s32 $0x2, s0;
	s0 =	smul.u32 $0xC8000, s0;
	[smem:$0x7FF] =	sst s2  }
0xb: {  	s5 =	smul.u32 $0xC80, s3;
	_ =	strace $0x80000047;
	[dreg:$0x5] =	wrdreg s14  }
0xc: {  	s6 =	smul.u32 $0xC8000, s3;
	s3 =	sadd.s32 $0xF43200, s1;
	[dreg:$0x6] =	wrdreg s15  }
0xd: {  	s23 =	sshrl.u32 s9, $0x1;
	s31 =	sadd.s32 s7, s8;
	[dreg:$0x7] =	wrdreg s16  }
0xe: {  	s1 =	ssub.s32 s9, s23;
	s7 =	sadd.s32 s10, s31;
	[dreg:$0x8] =	wrdreg s17  }
0xf: {  	s10 =	sadd.s32 s26, s24;
	s0 =	sadd.s32 s0, s11;
	[dreg:$0x9] =	wrdreg s18  }
0x10: {  	s9 =	simm.s32 $0x5;
	s11 =	simm.s32 $0x800;
	[dreg:$0xa] =	wrdreg s19  }
0x11: {  	s14 =	simm.s32 $0x180;
	s15 =	simm.s32 $0x3800;
	[dreg:$0xb] =	wrdreg s20  }
0x12: {  	s16 =	simm.s32 $0x200;
	s18 =	simm.s32 $0x4800;
	[dreg:$0xc] =	wrdreg s21  }
0x13: {  	s19 =	simm.s32 $0x280;
	[dreg:$0xd] =	wrdreg s22;
	s23 =	simm.s32 $0xD800  }
0x14: {  	s20 =	simm.s32 $0x5800;
	s24 =	simm.s32 $0x700;
	s21 =	simm.s32 $0x300  }
0x15: {  	s22 =	simm.s32 $0x6800;
	s26 =	simm.s32 $0x780;
	[dreg:$0xe] =	wrdreg s23  }
0x16: {  	s31 =	simm.s32 $0xF800;
	s6 =	sshrl.u32 s6, $0x3;
	[dreg:$0xf] =	wrdreg s24  }
0x17: {  	s5 =	sadd.s32 s8, s5;
	s1 =	smax.u32 s1, $0x1;
	[dreg:$0x11] =	wrdreg s26  }
0x18: {  	s12 =	sadd.s32 $0x8000, s0;
	s0 =	sshrl.u32 s0, $0x3;
	[dreg:$0x12] =	wrdreg s31  }
0x19: {  	s23 =	simm.s32 $0x380;
	s24 =	simm.s32 $0x7800;
	[dreg:$0x13] =	wrdreg s5  }
0x1a: {  	s26 =	simm.s32 $0x8800;
	s25 =	sadd.s32 s4, s6;
	[dreg:$0x15] =	wrdreg s1  }
0x1b: {  	s1 =	sadd.s32 $0x100, s7;
	s0 =	sadd.s32 s0, s4;
	s6 =	simm.s32 $0x1800  }
0x1c: {  	s5 =	sadd.s32 $0x18000, s25;
	[dreg:$0x3] =	wrdreg s1;
	s1 =	sshrl.u32 s12, $0x3  }
0x1d: {  	[dreg:$0x16] =	wrdreg s0;
	s12 =	simm.s32 $0x100;
	s25 =	simm.s32 $0xE800  }
0x1e: {  	[dreg:$0x14] =	wrdreg s5;
	s5 =	sadd.s32 $0x400, s10;
	s13 =	sadd.s32 s1, s4  }
0x1f: {  	s10 =	simm.s32 $0x80;
	[dreg:$0x10] =	wrdreg s25;
	s5 =	sshrl.u32 s5, $0x3  }
0x20: {  	s25 =	simm.s32 $0x400;
	[dreg:$0x17] =	wrdreg s13;
	s5 =	sadd.s32 s5, s8  }
0x21: {  	s1 =	simm.s32 $0x0;
	s13 =	simm.s32 $0x2800;
	[dreg:$0x4] =	wrdreg s5  }
.LBB2_1:
0x22: {  	[dreg:$0x18] =	wrdreg s1  }
0x23: {  	s0 =	rddreg [dreg:$0x13]  }
0x24: {  	[tilespmem:s2], [sflag:$0x5] =	stream.linear.gather [hbm4b:s0+s2], $0x400, $0x38;
	[tilespmem:$0x10800] =	vst v63  }
0x25: {  	_ =	swait.ge [sflag:s9], $0x400  }
0x26: {  	[sflag:s9] =	ssyncset.done $0x0  }
0x27: {  	[sflag:s9] =	ssyncadd.s32 $0xFFFFFC00  }
0x28: {  	[tilespmem:s11], [sflag:$0x1] =	stream.indirect.gather [hbm4b:s3+s10], $0x20, s2, s10, $0xb8;
	[tilespmem:$0x10800] =	vst v63  }
0x29: {  	_ = 	snop  }
0x2a: {  	[tilespmem:s6], [sflag:$0x1] =	stream.indirect.gather [hbm4b:s3+s10], $0x20, s10, s10, $0xb8;
	[tilespmem:$0x10800] =	vst v63  }
0x2b: {  	_ = 	snop  }
0x2c: {  	[tilespmem:s13], [sflag:$0x1] =	stream.indirect.gather [hbm4b:s3+s10], $0x20, s12, s10, $0xb8;
	[tilespmem:$0x10800] =	vst v63  }
0x2d: {  	_ = 	snop  }
0x2e: {  	[tilespmem:s15], [sflag:$0x1] =	stream.indirect.gather [hbm4b:s3+s10], $0x20, s14, s10, $0xb8;
	[tilespmem:$0x10800] =	vst v63  }
0x2f: {  	_ = 	snop  }
0x30: {  	[tilespmem:s18], [sflag:$0x1] =	stream.indirect.gather [hbm4b:s3+s10], $0x20, s16, s10, $0xb8;
	[tilespmem:$0x10800] =	vst v63  }
0x31: {  	_ = 	snop  }
0x32: {  	[tilespmem:s20], [sflag:$0x1] =	stream.indirect.gather [hbm4b:s3+s10], $0x20, s19, s10, $0xb8;
	[tilespmem:$0x10800] =	vst v63  }
0x33: {  	p0 =	por $0x1, $0x1  }
0x34: {  	[tilespmem:s22], [sflag:$0x1] =	stream.indirect.gather [hbm4b:s3+s10], $0x20, s21, s10, $0xb8;
	[tilespmem:$0x10800] =	vst v63  }
0x35: {  	s4 =	simm.s32 @!p0 $0x4  }
0x36: {  	[tilespmem:s24], [sflag:$0x1] =	stream.indirect.gather [hbm4b:s3+s10], $0x20, s23, s10, $0xb8;
	[tilespmem:$0x10800] =	vst v63  }
0x37: {  	_ =	swait.ge @!p0 [sflag:s4], $0x8000  }
0x38: {  	s5 =	rddreg [dreg:$0x4];
	[sflag:s4] =	ssyncset.done @!p0 $0x0  }
0x39: {  	[sflag:s4] =	ssyncadd.s32 @!p0 $0xFFFF8000;
	s31 =	sadd.s32 $0x0, s5  }
0x3a: {  	[tilespmem:s25], [sflag:$0x5] =	stream.linear.gather [hbm4b:s31+s2], $0x400, $0x38;
	[tilespmem:$0x10800] =	vst v63  }
0x3b: {  	_ =	swait.ge [sflag:s9], $0x400  }
0x3c: {  	s0 =	rddreg [dreg:$0x7]  }
0x3d: {  	s1 =	rddreg [dreg:$0x5]  }
0x3e: {  	s7 =	rddreg [dreg:$0x6]  }
0x3f: {  	[sflag:s9] =	ssyncset.done $0x0;
	s8 =	rddreg [dreg:$0x8]  }
0x40: {  	s17 =	rddreg [dreg:$0x9];
	[sflag:s9] =	ssyncadd.s32 $0xFFFFFC00  }
0x41: {  	[tilespmem:s26], [sflag:$0x2] =	stream.indirect.gather [hbm4b:s3+s10], $0x20, s25, s10, $0xb8;
	[tilespmem:$0x10800] =	vst v63  }
0x42: {  	s31 =	rddreg [dreg:$0xa]  }
0x43: {  	[tilespmem:s7], [sflag:$0x2] =	stream.indirect.gather [hbm4b:s3+s10], $0x20, s1, s10, $0xb8;
	[tilespmem:$0x10800] =	vst v63  }
0x44: {  	s1 =	rddreg [dreg:$0xb]  }
0x45: {  	s7 =	rddreg [dreg:$0x12]  }
0x46: {  	[tilespmem:s8], [sflag:$0x2] =	stream.indirect.gather [hbm4b:s3+s10], $0x20, s0, s10, $0xb8;
	[tilespmem:$0x10800] =	vst v63  }
0x47: {  	s0 =	rddreg [dreg:$0xc]  }
0x48: {  	[tilespmem:s31], [sflag:$0x2] =	stream.indirect.gather [hbm4b:s3+s10], $0x20, s17, s10, $0xb8;
	[tilespmem:$0x10800] =	vst v63  }
0x49: {  	s17 =	rddreg [dreg:$0xe]  }
0x4a: {  	s31 =	rddreg [dreg:$0xd]  }
0x4b: {  	[tilespmem:s0], [sflag:$0x2] =	stream.indirect.gather [hbm4b:s3+s10], $0x20, s1, s10, $0xb8;
	[tilespmem:$0x10800] =	vst v63  }
0x4c: {  	s0 =	rddreg [dreg:$0x10]  }
0x4d: {  	[tilespmem:s17], [sflag:$0x2] =	stream.indirect.gather [hbm4b:s3+s10], $0x20, s31, s10, $0xb8;
	[tilespmem:$0x10800] =	vst v63  }
0x4e: {  	s1 =	rddreg [dreg:$0xf]  }
0x4f: {  	[tilespmem:s0], [sflag:$0x2] =	stream.indirect.gather [hbm4b:s3+s10], $0x20, s1, s10, $0xb8;
	[tilespmem:$0x10800] =	vst v63  }
0x50: {  	s17 =	rddreg [dreg:$0x11]  }
0x51: {  	[tilespmem:s7], [sflag:$0x2] =	stream.indirect.gather [hbm4b:s3+s10], $0x20, s17, s10, $0xb8;
	[tilespmem:$0x10800] =	vst v63  }
0x52: {  	_ =	swait.ge [sflag:s28], $0x1000  }
0x53: {  	[sflag:s28] =	ssyncset.done $0x0  }
0x54: {  	[sflag:s28] =	ssyncadd.s32 $0xFFFFF000  }
0x55: {  	_ =	swait.ge [sflag:s28], $0x1000  }
0x56: {  	[sflag:s28] =	ssyncset.done $0x0  }
0x57: {  	[sflag:s28] =	ssyncadd.s32 $0xFFFFF000  }
0x58: {  	_ =	swait.ge [sflag:s28], $0x1000  }
0x59: {  	[sflag:s28] =	ssyncset.done $0x0  }
0x5a: {  	[sflag:s28] =	ssyncadd.s32 $0xFFFFF000  }
0x5b: {  	_ =	swait.ge [sflag:s28], $0x1000  }
0x5c: {  	[sflag:s28] =	ssyncset.done $0x0  }
0x5d: {  	[sflag:s28] =	ssyncadd.s32 $0xFFFFF000  }
0x5e: {  	_ =	swait.ge [sflag:s28], $0x1000  }
0x5f: {  	[sflag:s28] =	ssyncset.done $0x0  }
0x60: {  	[sflag:s28] =	ssyncadd.s32 $0xFFFFF000  }
0x61: {  	_ =	swait.ge [sflag:s28], $0x1000  }
0x62: {  	[sflag:s28] =	ssyncset.done $0x0  }
0x63: {  	[sflag:s28] =	ssyncadd.s32 $0xFFFFF000  }
0x64: {  	_ =	swait.ge [sflag:s28], $0x1000  }
0x65: {  	[sflag:s28] =	ssyncset.done $0x0  }
0x66: {  	[sflag:s28] =	ssyncadd.s32 $0xFFFFF000  }
0x67: {  	_ =	swait.ge [sflag:s28], $0x1000  }
0x68: {  	[sflag:s28] =	ssyncset.done $0x0  }
0x69: {  	s7 =	rddreg [dreg:$0x16];
	[sflag:s28] =	ssyncadd.s32 $0xFFFFF000  }
0x6a: {  	[hbm4b:s7+s2] =	stream.linear.scatter [tilespmem:s11], [sflag:$0x3], $0x8000, $0x38;
	[tilespmem:$0x10800] =	vst v63  }
0x6b: {  	_ =	swait.ge [sflag:s29], $0x8000  }
0x6c: {  	s31 =	rddreg [dreg:$0x3];
	[sflag:s29] =	ssyncset.done $0x0  }
0x6d: {  	[sflag:s29] =	ssyncadd.s32 $0xFFFF8000;
	s4 =	sadd.s32 $0x0, s31  }
0x6e: {  	[tilespmem:s2], [sflag:$0x5] =	stream.linear.gather [hbm4b:s4+s2], $0x400, $0x38;
	[tilespmem:$0x10800] =	vst v63  }
0x6f: {  	_ =	swait.ge [sflag:s9], $0x400  }
0x70: {  	[sflag:s9] =	ssyncset.done $0x0  }
0x71: {  	[sflag:s9] =	ssyncadd.s32 $0xFFFFFC00  }
0x72: {  	[tilespmem:s11], [sflag:$0x1] =	stream.indirect.gather [hbm4b:s3+s10], $0x20, s2, s10, $0xb8;
	[tilespmem:$0x10800] =	vst v63  }
0x73: {  	_ = 	snop  }
0x74: {  	[tilespmem:s6], [sflag:$0x1] =	stream.indirect.gather [hbm4b:s3+s10], $0x20, s10, s10, $0xb8;
	[tilespmem:$0x10800] =	vst v63  }
0x75: {  	_ = 	snop  }
0x76: {  	[tilespmem:s13], [sflag:$0x1] =	stream.indirect.gather [hbm4b:s3+s10], $0x20, s12, s10, $0xb8;
	[tilespmem:$0x10800] =	vst v63  }
0x77: {  	_ = 	snop  }
0x78: {  	[tilespmem:s15], [sflag:$0x1] =	stream.indirect.gather [hbm4b:s3+s10], $0x20, s14, s10, $0xb8;
	[tilespmem:$0x10800] =	vst v63  }
0x79: {  	_ = 	snop  }
0x7a: {  	[tilespmem:s18], [sflag:$0x1] =	stream.indirect.gather [hbm4b:s3+s10], $0x20, s16, s10, $0xb8;
	[tilespmem:$0x10800] =	vst v63  }
0x7b: {  	_ = 	snop  }
0x7c: {  	[tilespmem:s20], [sflag:$0x1] =	stream.indirect.gather [hbm4b:s3+s10], $0x20, s19, s10, $0xb8;
	[tilespmem:$0x10800] =	vst v63  }
0x7d: {  	_ = 	snop  }
0x7e: {  	[tilespmem:s22], [sflag:$0x1] =	stream.indirect.gather [hbm4b:s3+s10], $0x20, s21, s10, $0xb8;
	[tilespmem:$0x10800] =	vst v63  }
0x7f: {  	_ = 	snop  }
0x80: {  	[tilespmem:s24], [sflag:$0x1] =	stream.indirect.gather [hbm4b:s3+s10], $0x20, s23, s10, $0xb8;
	[tilespmem:$0x10800] =	vst v63  }
0x81: {  	_ =	swait.ge [sflag:s30], $0x1000  }
0x82: {  	[sflag:s30] =	ssyncset.done $0x0  }
0x83: {  	[sflag:s30] =	ssyncadd.s32 $0xFFFFF000  }
0x84: {  	_ =	swait.ge [sflag:s30], $0x1000  }
0x85: {  	[sflag:s30] =	ssyncset.done $0x0  }
0x86: {  	[sflag:s30] =	ssyncadd.s32 $0xFFFFF000  }
0x87: {  	_ =	swait.ge [sflag:s30], $0x1000  }
0x88: {  	[sflag:s30] =	ssyncset.done $0x0  }
0x89: {  	[sflag:s30] =	ssyncadd.s32 $0xFFFFF000  }
0x8a: {  	_ =	swait.ge [sflag:s30], $0x1000  }
0x8b: {  	[sflag:s30] =	ssyncset.done $0x0  }
0x8c: {  	[sflag:s30] =	ssyncadd.s32 $0xFFFFF000  }
0x8d: {  	_ =	swait.ge [sflag:s30], $0x1000  }
0x8e: {  	[sflag:s30] =	ssyncset.done $0x0  }
0x8f: {  	[sflag:s30] =	ssyncadd.s32 $0xFFFFF000  }
0x90: {  	_ =	swait.ge [sflag:s30], $0x1000  }
0x91: {  	[sflag:s30] =	ssyncset.done $0x0;
	s8 =	rddreg [dreg:$0x17]  }
0x92: {  	s4 =	simm.s32 $0x100;
	[sflag:s30] =	ssyncadd.s32 $0xFFFFF000;
	s5 =	sadd.s32 $0x2000, s8  }
.LBB2_2:
0x93: {  	_ =	swait.ge [sflag:s30], $0x1000  }
0x94: {  	[sflag:s30] =	ssyncset.done $0x0  }
0x95: {  	[sflag:s30] =	ssyncadd.s32 $0xFFFFF000  }
0x96: {  	s31 =	smov.u32 s4;
	_ =	swait.ge [sflag:s30], $0x1000  }
0x97: {  	p1 =	seq.s32 s31, $0x0;
	[sflag:s30] =	ssyncset.done $0x0  }
0x98: {  	s6 =	simm.s32 @!p1 $0x4;
	[sflag:s30] =	ssyncadd.s32 $0xFFFFF000  }
0x99: {  	[hbm4b:s8+s2] =	stream.linear.scatter [tilespmem:s26], [sflag:$0x4], $0x8000, $0x38;
	[tilespmem:$0x10800] =	vst v63  }
0x9a: {  	_ =	swait.ge @!p1 [sflag:s6], $0x8000  }
0x9b: {  	[sflag:s6] =	ssyncset.done @!p1 $0x0;
	s0 =	rddreg [dreg:$0x4]  }
0x9c: {  	[sflag:s6] =	ssyncadd.s32 @!p1 $0xFFFF8000;
	s0 =	sadd.s32 s31, s0  }
0x9d: {  	[tilespmem:s25], [sflag:$0x5] =	stream.linear.gather [hbm4b:s0+s2], $0x400, $0x38;
	[tilespmem:$0x10800] =	vst v63  }
0x9e: {  	_ =	swait.ge [sflag:s9], $0x400  }
0x9f: {  	s0 =	rddreg [dreg:$0x12]  }
0xa0: {  	s6 =	rddreg [dreg:$0x10]  }
0xa1: {  	s1 =	rddreg [dreg:$0xe]  }
0xa2: {  	s12 =	rddreg [dreg:$0xc]  }
0xa3: {  	s13 =	rddreg [dreg:$0x9]  }
0xa4: {  	[sflag:s9] =	ssyncset.done $0x0;
	s14 =	rddreg [dreg:$0x7]  }
0xa5: {  	s15 =	rddreg [dreg:$0x5];
	[sflag:s9] =	ssyncadd.s32 $0xFFFFFC00  }
0xa6: {  	[tilespmem:s26], [sflag:$0x2] =	stream.indirect.gather [hbm4b:s3+s10], $0x20, s25, s10, $0xb8;
	[tilespmem:$0x10800] =	vst v63  }
0xa7: {  	s16 =	rddreg [dreg:$0x6]  }
0xa8: {  	[tilespmem:s16], [sflag:$0x2] =	stream.indirect.gather [hbm4b:s3+s10], $0x20, s15, s10, $0xb8;
	[tilespmem:$0x10800] =	vst v63  }
0xa9: {  	s17 =	rddreg [dreg:$0x8]  }
0xaa: {  	[tilespmem:s17], [sflag:$0x2] =	stream.indirect.gather [hbm4b:s3+s10], $0x20, s14, s10, $0xb8;
	[tilespmem:$0x10800] =	vst v63  }
0xab: {  	s15 =	rddreg [dreg:$0xa]  }
0xac: {  	[tilespmem:s15], [sflag:$0x2] =	stream.indirect.gather [hbm4b:s3+s10], $0x20, s13, s10, $0xb8;
	[tilespmem:$0x10800] =	vst v63  }
0xad: {  	s14 =	rddreg [dreg:$0xb]  }
0xae: {  	[tilespmem:s12], [sflag:$0x2] =	stream.indirect.gather [hbm4b:s3+s10], $0x20, s14, s10, $0xb8;
	[tilespmem:$0x10800] =	vst v63  }
0xaf: {  	s17 =	rddreg [dreg:$0xd]  }
0xb0: {  	[tilespmem:s1], [sflag:$0x2] =	stream.indirect.gather [hbm4b:s3+s10], $0x20, s17, s10, $0xb8;
	[tilespmem:$0x10800] =	vst v63  }
0xb1: {  	s12 =	rddreg [dreg:$0xf]  }
0xb2: {  	[tilespmem:s6], [sflag:$0x2] =	stream.indirect.gather [hbm4b:s3+s10], $0x20, s12, s10, $0xb8;
	[tilespmem:$0x10800] =	vst v63  }
0xb3: {  	s17 =	rddreg [dreg:$0x11]  }
0xb4: {  	[tilespmem:s0], [sflag:$0x2] =	stream.indirect.gather [hbm4b:s3+s10], $0x20, s17, s10, $0xb8;
	[tilespmem:$0x10800] =	vst v63  }
0xb5: {  	_ =	swait.ge [sflag:s28], $0x1000  }
0xb6: {  	[sflag:s28] =	ssyncset.done $0x0  }
0xb7: {  	[sflag:s28] =	ssyncadd.s32 $0xFFFFF000  }
0xb8: {  	_ =	swait.ge [sflag:s28], $0x1000  }
0xb9: {  	[sflag:s28] =	ssyncset.done $0x0  }
0xba: {  	[sflag:s28] =	ssyncadd.s32 $0xFFFFF000  }
0xbb: {  	_ =	swait.ge [sflag:s28], $0x1000  }
0xbc: {  	[sflag:s28] =	ssyncset.done $0x0  }
0xbd: {  	[sflag:s28] =	ssyncadd.s32 $0xFFFFF000  }
0xbe: {  	_ =	swait.ge [sflag:s28], $0x1000  }
0xbf: {  	[sflag:s28] =	ssyncset.done $0x0  }
0xc0: {  	[sflag:s28] =	ssyncadd.s32 $0xFFFFF000  }
0xc1: {  	_ =	swait.ge [sflag:s28], $0x1000  }
0xc2: {  	[sflag:s28] =	ssyncset.done $0x0  }
0xc3: {  	[sflag:s28] =	ssyncadd.s32 $0xFFFFF000  }
0xc4: {  	_ =	swait.ge [sflag:s28], $0x1000  }
0xc5: {  	[sflag:s28] =	ssyncset.done $0x0  }
0xc6: {  	[sflag:s28] =	ssyncadd.s32 $0xFFFFF000  }
0xc7: {  	_ =	swait.ge [sflag:s28], $0x1000  }
0xc8: {  	[sflag:s28] =	ssyncset.done $0x0  }
0xc9: {  	[sflag:s28] =	ssyncadd.s32 $0xFFFFF000  }
0xca: {  	_ =	swait.ge [sflag:s28], $0x1000  }
0xcb: {  	[sflag:s28] =	ssyncset.done $0x0  }
0xcc: {  	s7 =	sadd.s32 $0x2000, s7;
	[sflag:s28] =	ssyncadd.s32 $0xFFFFF000  }
0xcd: {  	[hbm4b:s7+s2] =	stream.linear.scatter [tilespmem:s11], [sflag:$0x3], $0x8000, $0x38;
	[tilespmem:$0x10800] =	vst v63  }
0xce: {  	_ =	swait.ge [sflag:s29], $0x8000  }
0xcf: {  	s17 =	rddreg [dreg:$0x3];
	[sflag:s29] =	ssyncset.done $0x0  }
0xd0: {  	[sflag:s29] =	ssyncadd.s32 $0xFFFF8000;
	s0 =	sadd.s32 s31, s17  }
0xd1: {  	[tilespmem:s2], [sflag:$0x5] =	stream.linear.gather [hbm4b:s0+s2], $0x400, $0x38;
	[tilespmem:$0x10800] =	vst v63  }
0xd2: {  	_ =	swait.ge [sflag:s9], $0x400  }
0xd3: {  	[sflag:s9] =	ssyncset.done $0x0  }
0xd4: {  	[sflag:s9] =	ssyncadd.s32 $0xFFFFFC00  }
0xd5: {  	[tilespmem:s11], [sflag:$0x1] =	stream.indirect.gather [hbm4b:s3+s10], $0x20, s2, s10, $0xb8;
	[tilespmem:$0x10800] =	vst v63  }
0xd6: {  	s6 =	simm.s32 $0x1800  }
0xd7: {  	[tilespmem:s6], [sflag:$0x1] =	stream.indirect.gather [hbm4b:s3+s10], $0x20, s10, s10, $0xb8;
	[tilespmem:$0x10800] =	vst v63  }
0xd8: {  	s13 =	simm.s32 $0x2800;
	s12 =	simm.s32 $0x100  }
0xd9: {  	[tilespmem:s13], [sflag:$0x1] =	stream.indirect.gather [hbm4b:s3+s10], $0x20, s12, s10, $0xb8;
	[tilespmem:$0x10800] =	vst v63  }
0xda: {  	s15 =	simm.s32 $0x3800;
	s14 =	simm.s32 $0x180  }
0xdb: {  	[tilespmem:s15], [sflag:$0x1] =	stream.indirect.gather [hbm4b:s3+s10], $0x20, s14, s10, $0xb8;
	[tilespmem:$0x10800] =	vst v63  }
0xdc: {  	s16 =	simm.s32 $0x200  }
0xdd: {  	[tilespmem:s18], [sflag:$0x1] =	stream.indirect.gather [hbm4b:s3+s10], $0x20, s16, s10, $0xb8;
	[tilespmem:$0x10800] =	vst v63  }
0xde: {  	_ = 	snop  }
0xdf: {  	[tilespmem:s20], [sflag:$0x1] =	stream.indirect.gather [hbm4b:s3+s10], $0x20, s19, s10, $0xb8;
	[tilespmem:$0x10800] =	vst v63  }
0xe0: {  	_ = 	snop  }
0xe1: {  	[tilespmem:s22], [sflag:$0x1] =	stream.indirect.gather [hbm4b:s3+s10], $0x20, s21, s10, $0xb8;
	[tilespmem:$0x10800] =	vst v63  }
0xe2: {  	_ = 	snop  }
0xe3: {  	[tilespmem:s24], [sflag:$0x1] =	stream.indirect.gather [hbm4b:s3+s10], $0x20, s23, s10, $0xb8;
	[tilespmem:$0x10800] =	vst v63  }
0xe4: {  	_ =	swait.ge [sflag:s30], $0x1000  }
0xe5: {  	[sflag:s30] =	ssyncset.done $0x0  }
0xe6: {  	[sflag:s30] =	ssyncadd.s32 $0xFFFFF000  }
0xe7: {  	_ =	swait.ge [sflag:s30], $0x1000  }
0xe8: {  	[sflag:s30] =	ssyncset.done $0x0  }
0xe9: {  	[sflag:s30] =	ssyncadd.s32 $0xFFFFF000  }
0xea: {  	_ =	swait.ge [sflag:s30], $0x1000  }
0xeb: {  	[sflag:s30] =	ssyncset.done $0x0  }
0xec: {  	[sflag:s30] =	ssyncadd.s32 $0xFFFFF000  }
0xed: {  	_ =	swait.ge [sflag:s30], $0x1000  }
0xee: {  	[sflag:s30] =	ssyncset.done $0x0  }
0xef: {  	s4 =	sadd.s32 $0x100, s4;
	[sflag:s30] =	ssyncadd.s32 $0xFFFFF000  }
0xf0: {  	p0 =	sne.s32 s4, $0xC00;
	_ =	swait.ge [sflag:s30], $0x1000  }
.Ltmp0:
0xf1: {  	[sflag:s30] =	ssyncset.done $0x0;
	(pc) =	sbr.rel @p0 .LBB2_2-.Ltmp0, $4  }
0xf2: {  	[sflag:s30] =	ssyncadd.s32 $0xFFFFF000  }
0xf3: {  	_ =	swait.ge [sflag:s30], $0x1000  }
0xf4: {  	[sflag:s30] =	ssyncset.done $0x0  }
0xf5: {  	s8 =	smov.u32 s5;
	s5 =	sadd.s32 $0x2000, s5;
	[sflag:s30] =	ssyncadd.s32 $0xFFFFF000  }
0xf6: {  	_ =	swait.ge [sflag:s30], $0x1000  }
0xf7: {  	[sflag:s30] =	ssyncset.done $0x0  }
0xf8: {  	[sflag:s30] =	ssyncadd.s32 $0xFFFFF000  }
0xf9: {  	_ =	swait.ge [sflag:s30], $0x1000  }
0xfa: {  	[sflag:s30] =	ssyncset.done $0x0  }
0xfb: {  	[sflag:s30] =	ssyncadd.s32 $0xFFFFF000  }
0xfc: {  	[hbm4b:s8+s2] =	stream.linear.scatter [tilespmem:s26], [sflag:$0x4], $0x8000, $0x38;
	[tilespmem:$0x10800] =	vst v63  }
0xfd: {  	_ =	swait.ge [sflag:s28], $0x1000  }
0xfe: {  	[sflag:s28] =	ssyncset.done $0x0  }
0xff: {  	[sflag:s28] =	ssyncadd.s32 $0xFFFFF000  }
0x100: {  	_ =	swait.ge [sflag:s28], $0x1000  }
0x101: {  	[sflag:s28] =	ssyncset.done $0x0  }
0x102: {  	[sflag:s28] =	ssyncadd.s32 $0xFFFFF000  }
0x103: {  	_ =	swait.ge [sflag:s28], $0x1000  }
0x104: {  	[sflag:s28] =	ssyncset.done $0x0  }
0x105: {  	[sflag:s28] =	ssyncadd.s32 $0xFFFFF000  }
0x106: {  	_ =	swait.ge [sflag:s28], $0x1000  }
0x107: {  	[sflag:s28] =	ssyncset.done $0x0  }
0x108: {  	[sflag:s28] =	ssyncadd.s32 $0xFFFFF000  }
0x109: {  	_ =	swait.ge [sflag:s28], $0x1000  }
0x10a: {  	[sflag:s28] =	ssyncset.done $0x0  }
0x10b: {  	[sflag:s28] =	ssyncadd.s32 $0xFFFFF000  }
0x10c: {  	_ =	swait.ge [sflag:s28], $0x1000  }
0x10d: {  	[sflag:s28] =	ssyncset.done $0x0  }
0x10e: {  	[sflag:s28] =	ssyncadd.s32 $0xFFFFF000  }
0x10f: {  	_ =	swait.ge [sflag:s28], $0x1000  }
0x110: {  	[sflag:s28] =	ssyncset.done $0x0  }
0x111: {  	[sflag:s28] =	ssyncadd.s32 $0xFFFFF000  }
0x112: {  	_ =	swait.ge [sflag:s28], $0x1000  }
0x113: {  	[sflag:s28] =	ssyncset.done $0x0  }
0x114: {  	s17 =	simm.s32 $0x4;
	s0 =	rddreg [dreg:$0x14];
	[sflag:s28] =	ssyncadd.s32 $0xFFFFF000  }
0x115: {  	[hbm4b:s0+s2] =	stream.linear.scatter [tilespmem:s11], [sflag:$0x3], $0x8000, $0x38;
	[tilespmem:$0x10800] =	vst v63  }
0x116: {  	_ =	swait.ge [sflag:s17], $0x8000  }
0x117: {  	[sflag:s17] =	ssyncset.done $0x0  }
0x118: {  	[sflag:s17] =	ssyncadd.s32 $0xFFFF8000  }
0x119: {  	_ =	swait.ge [sflag:s29], $0x8000  }
0x11a: {  	s1 =	rddreg [dreg:$0x18]  }
0x11b: {  	s31 =	rddreg [dreg:$0x15];
	s1 =	sadd.s32 $0x1, s1  }
0x11c: {  	p0 =	sne.s32 s1, s31  }
.Ltmp1:
0x11d: {  	_ = 	snop;
	(pc) =	sbr.rel @p0 .LBB2_1-.Ltmp1, $3  }
0x11e: {  	_ =	sdelay $0x1  }
0x11f: {  	[sflag:s29] =	ssyncset.done $0x0  }
0x120: {  	[sflag:s29] =	ssyncadd.s32 $0xFFFF8000  }
0x121: {  	_ =	sfence.sel $0x180000  }
0x122: {  	[bflag:$0x0] =	sbarrier.arrive $0xFFFF  }
0x123: {  	_ =	strace $0x90000047  }
0x124: {  	s0 =	stileid.u32;
	[bflag:$0x2] =	sbarrier.arrive $0xFFFF  }
0x125: {  	p0 =	sne.s32 s0, $0x0;
	s0 =	rddreg [dreg:$0x2]  }
0x126: {  	s0 =	sadd.s32 @!p0 $0x100000, s0  }
0x127: {  	[sflag:s0] =	ssyncadd.tile.s32 @!p0 $0x1;
	_ =	shalt  }
.Lfunc_end2:
_tile_overlayer_lowered:
.L_overlay_start_2:
0x128: {  	(tag) =	ssettag $0x2  }
0x129: {  	s0 =	rddreg [dreg:$0x0];
	s2 =	stileid.u32  }
0x12a: {  	s1 =	rddreg [dreg:$0x1];
	p0 =	sne.s32 s2, $0x0  }
0x12b: {  	s3 =	rddreg [dreg:$0x2];
	[bflag:$0x3] =	sbarrier.arrive $0xFFFF;
	s2 =	simm.s32 @!p0 $0x1C05  }
0x12c: {  	[timem:s3], [sflag:s2] =	dma.local @!p0 [hbm:s0], s1  }
0x12d: {  	s0 =	simm.s32 @!p0 $0x5  }
0x12e: {  	_ =	swait.ge @!p0 [sflag:s0], s1  }
0x12f: {  	s1 =	ssub.s32 @!p0 $0x0, s1;
	[sflag:s0] =	ssyncset.done @!p0 $0x0  }
0x130: {  	[sflag:s0] =	ssyncadd.s32 @!p0 s1  }
0x131: {  	[bflag:$0x3] =	sbarrier.arrive $0xFFFF  }
0x132: {  	_ =	shalt  }

// kernel: sparse-core-data-format-call.1.cloned.1.call-start
scs
called_computation.1_lowered:
.L_overlay_start_0:
0x0: {  	s2 =	sld [smem:$0x3FD9]  }
0x1: {  	s3 =	sld [smem:$0x3FFE];
	_ =	sdelay $0x1  }
0x2: {  	s1 =	srdreg.scid  }
0x3: {  	s0 =	sand.u32 $0x1, s1  }
0x4: {  	s18 =	sshll.u32 s0, $0xA;
	s2 =	sadd.s32 s3, s2  }
0x5: {  	s2 =	sadd.s32 s2, s18  }
0x6: {  	[smem:$0x3FC6] =	sst s2  }
0x7: {  	_ = 	snop  }
0x8: {  	s2 =	sld [smem:$0x3FD0];
	(tm) =	ssettm $0x1  }
0x9: {  	s19 =	sld [smem:$0x3FFB];
	_ =	sdelay $0x3  }
0xa: {  	_ =	strace s19  }
0xb: {  	s3 =	sld [smem:$0x3FFC];
	_ =	sdelay $0x3  }
0xc: {  	_ =	strace s3  }
0xd: {  	s3 =	sld [smem:$0x3FFD];
	_ =	sdelay $0x3  }
0xe: {  	_ =	strace s3  }
0xf: {  	_ =	strace $0x8FFFFFFF  }
0x10: {  	s20 =	sld [smem:$0x3FDB];
	_ =	sdelay $0x1  }
0x11: {  	s4 =	simm.s32 $_scs_section_size  }
0x12: {  	s5 =	simm.s32 $_size__tile_overlayer_lowered;
	s6 =	simm.s32 $_tile_overlayer_lowered  }
0x13: {  	s23 =	simm.s32 $0x1BFF;
	s22 =	sshll.u32 s6, $0x1;
	s3 =	sadd.s32 s4, s20  }
0x14: {  	s7 =	simm.s32 $0x0;
	s21 =	sshll.u32 s5, $0x1;
	s5 =	sadd.s32 s22, s3  }
0x15: {  	[timem:s7], [sflag:s23] =	dma.local [hbm:s5], s21  }
0x16: {  	_ =	swait.ge [sflag:s23], s21  }
0x17: {  	s4 =	ssub.s32 $0x0, s21;
	[sflag:s23] =	ssyncset.done $0x0  }
0x18: {  	[sflag:s23] =	ssyncadd.s32 s4;
	_ =	sdelay $0x1  }
0x19: {  	s24 =	simm.s32 $0x1B8B  }
0x1a: {  	_ =	swait.ge [sflag:s24], $0x1  }
0x1b: {  	[sflag:s24] =	ssyncset.done $0x0  }
0x1c: {  	s26 =	simm.s32 $0x1B8E;
	s25 =	sld [smem:$0x3FFE];
	[sflag:s24] =	ssyncadd.s32 $0xFFFFFFFF  }
0x1d: {  	s27 =	simm.s32 $execute0_lowered;
	[smem:$0x3FD2] =	sst s26  }
0x1e: {  	s5 =	sshll.u32 s27, $0x1;
	_ =	strace $0x80000049;
	[dreg:$0x1] =	wrdreg $0xFFFFFFFF  }
0x1f: {  	s28 =	simm.s32 $_size_execute0_lowered;
	s3 =	sadd.s32 s3, s5;
	[dreg:$0x0] =	wrdreg $0x0  }
0x20: {  	s5 =	sshll.u32 s28, $0x1;
	[dreg:$0x2] =	wrdreg s3  }
0x21: {  	[dreg:$0x3] =	wrdreg s5  }
0x22: {  	[dreg:$0x4] =	wrdreg $0xC0  }
0x23: {  	_ =	task [dreg:s7], $0x5FFFF  }
0x24: {  	[dreg:$0x1] =	wrdreg $0xFFFFFFFF  }
0x25: {  	[dreg:$0x0] =	wrdreg $0x60  }
0x26: {  	[dreg:$0x2] =	wrdreg s25  }
0x27: {  	[dreg:$0x3] =	wrdreg s2  }
0x28: {  	[dreg:$0x4] =	wrdreg $0x9  }
0x29: {  	_ =	task.clear_ibuf [dreg:s7], $0x5FFFF;
	_ =	strace $0x90000049  }
0x2a: {  	s29 =	simm.s32 $0x9;
	_ =	strace $0x8000004B  }
0x2b: {  	_ =	swait.ge [sflag:s29], $0x1  }
0x2c: {  	[sflag:s29] =	ssyncadd.s32 $0xFFFFFFFF  }
0x2d: {  	_ =	strace $0x9000004B  }
0x2e: {  	_ =	sfence  }
0x2f: {  	s30 =	sld [smem:$0x0];
	_ =	sdelay $0x2  }
0x30: {  	s31 =	sshll.u32 s1, $0xD;
	s1 =	sshrl.u32 s1, $0x2  }
0x31: {  	s3 =	sand.u32 $0x4000, s31;
	s1 =	sadd.s32 s1, s30  }
0x32: {  	s0 =	sor.u32 s3, s0;
	s1 =	sshll.u32 s1, $0x11  }
0x33: {  	s0 =	sor.u32 s1, s0  }
0x34: {  	s0 =	sadd.s32 $0x8F2B, s0  }
0x35: {  	[sflag:s0] =	ssyncadd.remote.s32 $0x1  }
0x36: {  	_ =	sfence.sel $0xFFFF  }
0x37: {  	[dreg:$0x0] =	wrdreg $0xFFFFFFFF;
	(pc) =	sbr.abs _section_cstart, $3  }
0x38: {  	[dreg:$0x1] =	wrdreg $0xFFFFFFFF  }
0x39: {  	_ =	task.clear_ibuf [dreg:s7], $0x2FFFF;
	_ =	strace $0x9FFFFFFF  }
0x3a: {  	(tm) =	ssettm $0x7FFFFFFF  }
0x3b: {  	_ =	shalt  }
tec
execute0_lowered:
.L_overlay_start_1:
0x0: {  	(tag) =	ssettag $0x1  }
0x1: {  	s0 =	srdreg.scid  }
0x2: {  	s1 =	sshll.u32 s0, $0x4  }
0x3: {  	s4 =	rddreg [dreg:$0x0];
	s0 =	stileid.u32;
	s1 =	sand.u32 $0x10, s1  }
0x4: {  	s2 =	rddreg [dreg:$0x1];
	s7 =	simm.s32 $0x1;
	s1 =	sor.u32 s0, s1  }
0x5: {  	s8 =	simm.s32 $0x2;
	s11 =	simm.s32 $0x0;
	s3 =	sshll.u32 s1, $0x7  }
0x6: {  	s10 =	simm.s32 $0x0;
	s4 =	sadd.s32 $0xE00, s4;
	s6 =	ssub.s32 $0xC8000, s3  }
.Ltmp0:
0x7: {  	s1 =	rddreg [dreg:$0x2];
	s5 =	sand.u32 $0xF80, s6;
	(pc) =	sbr.rel .LBB1_1-.Ltmp0, $4  }
0x8: {  	_ =	strace $0x8000004A;
	s9 =	smov.u32 s3;
	p0 =	sne.s32 s5, $0x0  }
0x9: {  	s6 =	sshrl.u32 s6, $0xC;
	s5 =	simm.s32 $0x1;
	s7 =	simm.s32 @!p0 $0x0  }
0xa: {  	[sflag:s5] =	ssyncpa.u1 $0x0;
	p0 =	por $0x0, $0x0;
	s6 =	sadd.s32 s7, s6  }
0xb: {  	[sflag:s8] =	ssyncpa.u1 $0x0;
	s8 =	simm.s32 $0x640000;
	s7 =	sadd.s32 $0x1, s6  }
.LBB1_4:
0xc: {  	s14 =	sshll.u32 s11, $0x3  }
0xd: {  	s30 =	sand.u32 $0x7F, s11;
	s15 =	sand.u32 $0xFFFFFC00, s14  }
0xe: {  	s11 =	sor.u32 s30, s15  }
0xf: {  	s15 =	smulhi.u32 $0x51EB851F, s11  }
0x10: {  	s14 =	smulhi.u32 $0x51EB851F, s14  }
0x11: {  	s15 =	sshrl.u32 s15, $0x12  }
0x12: {  	s14 =	sshrl.u32 s14, $0x12;
	s15 =	smul.u32 $0xC8000, s15  }
0x13: {  	s14 =	sand.u32 $0x1F, s14  }
0x14: {  	s14 =	smul.u32 $0x19000, s14;
	s11 =	ssub.s32 s11, s15  }
0x15: {  	s15 =	sand.u32 $0x7, s11  }
0x16: {  	s14 =	sadd.s32 s2, s14;
	s11 =	sshrl.u32 s11, $0x3;
	s15 =	sshll.u32 s15, $0x12  }
0x17: {  	[tilespmem:s13+$0x0 ss:$0x81] =	vst.msk $0xffff, v0;
	s11 =	sadd.s32 s11, s14;
	s31 =	sor.u32 $0x400, s15  }
0x18: {  	[hbm4b:s11+s31] =	stream.strided.scatter [tilespmem:s12], [sflag:$0x2], $0x1000, s8, s31, $0x20;
	[tilespmem:$0x4040] =	vst v63  }
.LBB1_5:
0x19: {  	s13 =	sadd.s32 $0x1000, s9  }
0x1a: {  	p2 =	sgt.s32 s13, $0xC7FFF  }
0x1b: {  	s13 =	smov.u32 @p2 s3;
	p2 =	sne.s32 s10, s7  }
.Ltmp1:
0x1c: {  	p1 =	slt.u32 s10, $0x2;
	(pc) =	sbr.rel @!p2 .LBB1_6-.Ltmp1, $4  }
0x1d: {  	s12 =	simm.s32 @!p1 $0x2  }
0x1e: {  	s14 =	sadd.s32 $0x1, s10;
	_ =	swait.ge @!p1 [sflag:s12], $0x1000  }
0x1f: {  	s11 =	smov.u32 s9;
	p0 =	por !p0, !p0;
	[sflag:s12] =	ssyncset.done @!p1 $0x0  }
0x20: {  	s10 =	smov.u32 s14;
	s9 =	smov.u32 s13;
	[sflag:s12] =	ssyncadd.s32 @!p1 $0xFFFFF000  }
.LBB1_1:
0x21: {  	p1 =	sge.u32 s10, s6  }
0x22: {  	s12 =	sand.u32 @!p1 $0x1FFFFFF, s9  }
0x23: {  	s13 =	smulhi.u32 @!p1 $0x147AE15, s12;
	_ =	sdelay $0x1  }
0x24: {  	s13 =	sshrl.u32 @!p1 s13, $0xC  }
0x25: {  	s13 =	smul.u32 @!p1 $0xC8000, s13;
	_ =	sdelay $0x1  }
0x26: {  	s31 =	sadd.s32 $0xFFFFFFFF, s10;
	s14 =	sxor.u32 @!p1 $0xFFFFFFFF, s10;
	s12 =	ssub.s32 @!p1 s12, s13  }
0x27: {  	s15 =	simm.s32 @!p1 $0x80;
	s14 =	sshll.u32 @!p1 s14, $0xC;
	s12 =	sshll.u32 @!p1 s12, $0x4  }
0x28: {  	s13 =	sand.u32 @!p1 $0x1000, s14;
	s14 =	simm.s32 @!p1 $0x20;
	s12 =	sadd.s32 @!p1 s4, s12  }
0x29: {  	[tilespmem:s13], [sflag:$0x1] =	stream.strided.gather @!p1 [hbm4b:s12+s14], $0x1000, s15, s14, $0x38;
	[tilespmem:$0x4040] =	vst v63  }
0x2a: {  	p1 =	sge.u32 s31, s6  }
.Ltmp2:
0x2b: {  	_ = 	snop;
	(pc) =	sbr.rel @p1 .LBB1_5-.Ltmp2, $1  }
0x2c: {  	_ =	sdelay $0x3  }
0x2d: {  	s12 =	simm.s32 $0x1  }
0x2e: {  	_ =	swait.ge [sflag:s5], $0x1000;
	s12 =	simm.s32 @!p0 $0x0  }
0x2f: {  	[sflag:s5] =	ssyncset.done $0x0;
	s13 =	sshll.u32 s12, $0xC  }
0x30: {  	[sflag:s5] =	ssyncadd.s32 $0xFFFFF000;
	s16 =	sor.u32 $0x10, s13  }
0x31: {  	s12 =	smul.u32 $0x4080, s12;
	v1 =	vld [tilespmem:s16+$0x0]  }
0x32: {  	s30 =	sand.u32 $0x1, s10;
	v0 =	vld [tilespmem:s16+$0xFFFFFFF0]  }
0x33: {  	s13 =	smul.u32 $0x4080, s30;
	s12 =	sshrl.u32 s12, $0x2  }
0x34: {  	s14 =	sor.u32 $0x2000, s12  }
0x35: {  	s31 =	sshrl.u32 s13, $0x2;
	s13 =	sadd.s32 $0x0, s14  }
0x36: {  	s15 =	simm.s32 $0x4;
	s16 =	sadd.s32 $0x20, s16;
	s12 =	sor.u32 $0x2000, s31;
	[tilespmem:s13+$0x810 ss:$0x81] =	vst.msk $0xffff, v1  }
.LBB1_3:
0x37: {  	v1 =	vld [tilespmem:s16+$0x0];
	p1 =	sne.s32 s15, $0x1FC;
	[tilespmem:s13+$0x0 ss:$0x81] =	vst.msk $0xffff, v0;
	s13 =	smov.u32 s15;
	s15 =	sadd.s32 $0x4, s15  }
.Ltmp3:
0x38: {  	v0 =	vld [tilespmem:s16+$0xFFFFFFF0];
	(pc) =	sbr.rel @p1 .LBB1_3-.Ltmp3, $4  }
0x39: {  	_ = 	snop  }
0x3a: {  	s13 =	sshra.s32 s13, $0x2  }
0x3b: {  	s13 =	sadd.s32 s13, s14  }
0x3c: {  	s16 =	sadd.s32 $0x20, s16;
	[tilespmem:s13+$0x810 ss:$0x81] =	vst.msk $0xffff, v1  }
.Ltmp4:
0x3d: {  	_ = 	snop;
	(pc) =	sbr.rel .LBB1_4-.Ltmp4, $1  }
0x3e: {  	_ =	sdelay $0x3  }
.LBB1_6:
0x3f: {  	_ =	sfence.sel $0x180000  }
0x40: {  	s2 =	simm.s32 $0x1;
	[bflag:$0x0] =	sbarrier.arrive $0xFFFF  }
0x41: {  	s31 =	simm.s32 $0x2;
	[sflag:s2] =	ssyncpa.u1 $0x1  }
0x42: {  	[sflag:s31] =	ssyncpa.u1 $0x1  }
0x43: {  	p0 =	sne.s32 s0, $0x0;
	_ =	strace $0x9000004A  }
0x44: {  	s0 =	sadd.s32 @!p0 $0x100000, s1;
	[bflag:$0x2] =	sbarrier.arrive $0xFFFF  }
0x45: {  	[sflag:s0] =	ssyncadd.tile.s32 @!p0 $0x1;
	_ =	shalt  }
.Lfunc_end1:
_tile_overlayer_lowered:
.L_overlay_start_2:
0x46: {  	(tag) =	ssettag $0x2  }
0x47: {  	s0 =	rddreg [dreg:$0x0];
	s2 =	stileid.u32  }
0x48: {  	s1 =	rddreg [dreg:$0x1];
	p0 =	sne.s32 s2, $0x0  }
0x49: {  	s3 =	rddreg [dreg:$0x2];
	[bflag:$0x3] =	sbarrier.arrive $0xFFFF;
	s2 =	simm.s32 @!p0 $0x1C01  }
0x4a: {  	[timem:s3], [sflag:s2] =	dma.local @!p0 [hbm:s0], s1  }
0x4b: {  	s0 =	simm.s32 @!p0 $0x1  }
0x4c: {  	_ =	swait.ge @!p0 [sflag:s0], s1  }
0x4d: {  	s1 =	ssub.s32 @!p0 $0x0, s1;
	[sflag:s0] =	ssyncset.done @!p0 $0x0  }
0x4e: {  	[sflag:s0] =	ssyncadd.s32 @!p0 s1  }
0x4f: {  	[bflag:$0x3] =	sbarrier.arrive $0xFFFF  }
0x50: {  	_ =	shalt  }

// kernel: sparse-core-data-format-call.cloned.1.call-start
scs
called_computation_lowered:
.L_overlay_start_0:
0x0: {  	s2 =	sld [smem:$0x3FD9]  }
0x1: {  	s3 =	sld [smem:$0x3FFE];
	_ =	sdelay $0x1  }
0x2: {  	s1 =	srdreg.scid  }
0x3: {  	s0 =	sand.u32 $0x1, s1  }
0x4: {  	s18 =	sshll.u32 s0, $0xA;
	s2 =	sadd.s32 s3, s2  }
0x5: {  	s2 =	sadd.s32 s2, s18  }
0x6: {  	[smem:$0x3FC6] =	sst s2  }
0x7: {  	_ = 	snop  }
0x8: {  	s2 =	sld [smem:$0x3FD0];
	(tm) =	ssettm $0x1  }
0x9: {  	s19 =	sld [smem:$0x3FFB];
	_ =	sdelay $0x3  }
0xa: {  	_ =	strace s19  }
0xb: {  	s3 =	sld [smem:$0x3FFC];
	_ =	sdelay $0x3  }
0xc: {  	_ =	strace s3  }
0xd: {  	s3 =	sld [smem:$0x3FFD];
	_ =	sdelay $0x3  }
0xe: {  	_ =	strace s3  }
0xf: {  	_ =	strace $0x8FFFFFFF  }
0x10: {  	s20 =	sld [smem:$0x3FDB];
	_ =	sdelay $0x1  }
0x11: {  	s4 =	simm.s32 $_scs_section_size  }
0x12: {  	s5 =	simm.s32 $_size__tile_overlayer_lowered;
	s6 =	simm.s32 $_tile_overlayer_lowered  }
0x13: {  	s23 =	simm.s32 $0x1BFF;
	s22 =	sshll.u32 s6, $0x1;
	s3 =	sadd.s32 s4, s20  }
0x14: {  	s7 =	simm.s32 $0x0;
	s21 =	sshll.u32 s5, $0x1;
	s5 =	sadd.s32 s22, s3  }
0x15: {  	[timem:s7], [sflag:s23] =	dma.local [hbm:s5], s21  }
0x16: {  	_ =	swait.ge [sflag:s23], s21  }
0x17: {  	s4 =	ssub.s32 $0x0, s21;
	[sflag:s23] =	ssyncset.done $0x0  }
0x18: {  	[sflag:s23] =	ssyncadd.s32 s4;
	_ =	sdelay $0x1  }
0x19: {  	s24 =	simm.s32 $0x1B8B  }
0x1a: {  	_ =	swait.ge [sflag:s24], $0x1  }
0x1b: {  	[sflag:s24] =	ssyncset.done $0x0  }
0x1c: {  	s26 =	simm.s32 $0x1B8E;
	s25 =	sld [smem:$0x3FFE];
	[sflag:s24] =	ssyncadd.s32 $0xFFFFFFFF  }
0x1d: {  	s27 =	simm.s32 $execute0_lowered;
	[smem:$0x3FD2] =	sst s26  }
0x1e: {  	s5 =	sshll.u32 s27, $0x1;
	_ =	strace $0x8000004C;
	[dreg:$0x1] =	wrdreg $0xFFFFFFFF  }
0x1f: {  	s28 =	simm.s32 $_size_execute0_lowered;
	s3 =	sadd.s32 s3, s5;
	[dreg:$0x0] =	wrdreg $0x0  }
0x20: {  	s5 =	sshll.u32 s28, $0x1;
	[dreg:$0x2] =	wrdreg s3  }
0x21: {  	[dreg:$0x3] =	wrdreg s5  }
0x22: {  	[dreg:$0x4] =	wrdreg $0xC0  }
0x23: {  	_ =	task [dreg:s7], $0x5FFFF  }
0x24: {  	[dreg:$0x1] =	wrdreg $0xFFFFFFFF  }
0x25: {  	[dreg:$0x0] =	wrdreg $0x60  }
0x26: {  	[dreg:$0x2] =	wrdreg s25  }
0x27: {  	[dreg:$0x3] =	wrdreg s2  }
0x28: {  	[dreg:$0x4] =	wrdreg $0x9  }
0x29: {  	_ =	task.clear_ibuf [dreg:s7], $0x5FFFF;
	_ =	strace $0x9000004C  }
0x2a: {  	s29 =	simm.s32 $0x9;
	_ =	strace $0x8000004E  }
0x2b: {  	_ =	swait.ge [sflag:s29], $0x1  }
0x2c: {  	[sflag:s29] =	ssyncadd.s32 $0xFFFFFFFF  }
0x2d: {  	_ =	strace $0x9000004E  }
0x2e: {  	_ =	sfence  }
0x2f: {  	s30 =	sld [smem:$0x0];
	_ =	sdelay $0x2  }
0x30: {  	s31 =	sshll.u32 s1, $0xD;
	s1 =	sshrl.u32 s1, $0x2  }
0x31: {  	s3 =	sand.u32 $0x4000, s31;
	s1 =	sadd.s32 s1, s30  }
0x32: {  	s0 =	sor.u32 s3, s0;
	s1 =	sshll.u32 s1, $0x11  }
0x33: {  	s0 =	sor.u32 s1, s0  }
0x34: {  	s0 =	sadd.s32 $0x8F2B, s0  }
0x35: {  	[sflag:s0] =	ssyncadd.remote.s32 $0x1  }
0x36: {  	_ =	sfence.sel $0xFFFF  }
0x37: {  	[dreg:$0x0] =	wrdreg $0xFFFFFFFF;
	(pc) =	sbr.abs _section_cstart, $3  }
0x38: {  	[dreg:$0x1] =	wrdreg $0xFFFFFFFF  }
0x39: {  	_ =	task.clear_ibuf [dreg:s7], $0x2FFFF;
	_ =	strace $0x9FFFFFFF  }
0x3a: {  	(tm) =	ssettm $0x7FFFFFFF  }
0x3b: {  	_ =	shalt  }
tec
execute0_lowered:
.L_overlay_start_1:
0x0: {  	(tag) =	ssettag $0x1  }
0x1: {  	s8 =	rddreg [dreg:$0x0]  }
0x2: {  	s2 =	rddreg [dreg:$0x1];
	s1 =	stileid.u32  }
0x3: {  	s4 =	srdreg.scid;
	s0 =	rddreg [dreg:$0x2];
	_ =	strace $0x8000004D  }
0x4: {  	s9 =	simm.s32 $0x1;
	s31 =	simm.s32 $0x2;
	s16 =	simm.s32 $0x0  }
0x5: {  	s17 =	simm.s32 $0x0;
	s11 =	simm.s32 $0x0;
	s12 =	simm.s32 $0x0  }
0x6: {  	s15 =	simm.s32 $0x0;
	s3 =	sshll.u32 s1, $0x1;
	s4 =	sshll.u32 s4, $0x7  }
0x7: {  	s4 =	sand.u32 $0x80, s4;
	s5 =	ssub.s32 $0x20, s3;
	s14 =	smov.u32 s3  }
0x8: {  	s6 =	sshrl.u32 s5, $0x5;
	s5 =	sand.u32 $0x1E, s5;
	s7 =	ssub.s32 $0x4000, s4  }
0x9: {  	p0 =	sne.s32 s5, $0x0;
	s30 =	sshrl.u32 s7, $0x7;
	s7 =	sshrl.u32 s7, $0x8  }
.Ltmp0:
0xa: {  	s9 =	simm.s32 @!p0 $0x0;
	s10 =	sand.u32 $0x1, s30;
	(pc) =	sbr.rel .LBB1_1-.Ltmp0, $4  }
0xb: {  	s5 =	simm.s32 $0x1;
	s6 =	sadd.s32 s9, s6;
	s7 =	sadd.s32 s7, s10  }
0xc: {  	s13 =	smov.u32 s4;
	[sflag:s5] =	ssyncpa.u1 $0x0;
	s6 =	smul.u32 s6, s7  }
0xd: {  	p0 =	por $0x0, $0x0;
	[sflag:s31] =	ssyncpa.u1 $0x0;
	s10 =	simm.s32 $0x80000  }
0xe: {  	s7 =	sadd.s32 $0xE00, s8;
	s8 =	sadd.s32 $0x40E00, s8;
	s9 =	sadd.s32 $0x1, s6  }
.LBB1_7:
0xf: {  	p1 =	slt.u32 s15, $0x2  }
0x10: {  	s19 =	smov.u32 s17;
	p2 =	sgt.s32 @!p1 s17, $0x1E;
	s18 =	sshra.s32 @!p1 s17, $0x1F  }
0x11: {  	p3 =	sgt.s32 @!p1 s16, $0x3F80;
	s20 =	sshra.s32 @!p1 s16, $0x1F;
	p2 =	por !p2, p1  }
0x12: {  	s17 =	sand.u32 @!p1 s18, s17;
	p3 =	por !p3, p1;
	s18 =	smov.u32 s16  }
0x13: {  	s16 =	sand.u32 @!p1 s20, s16;
	s19 =	simm.s32 @p2 $0x1E;
	s18 =	simm.s32 @p3 $0x3F80  }
0x14: {  	s20 =	smov.u32 s14;
	s17 =	ssub.s32 @!p1 s19, s17;
	s16 =	ssub.s32 @!p1 s18, s16  }
0x15: {  	s18 =	sadd.s32 @!p1 $0xFFFFFFE2, s17;
	s17 =	ssub.s32 @!p1 $0x20, s17;
	s19 =	sadd.s32 @!p1 $0xFFFFC080, s16  }
0x16: {  	p2 =	sgt.s32 @!p1 s18, $0x1;
	s17 =	smul.u32 @!p1 $0x32, s17;
	p3 =	sgt.s32 @!p1 s19, $0x7F  }
0x17: {  	s16 =	ssub.s32 @!p1 $0x4000, s16;
	p2 =	por !p2, p1;
	p3 =	por !p3, p1  }
0x18: {  	s18 =	sadd.s32 $0x100, s13;
	s17 =	simm.s32 @!p2 $0x0;
	s16 =	simm.s32 @!p3 $0x0  }
0x19: {  	p2 =	sgt.s32 s18, $0x3FFF;
	s16 =	smul.u32 @!p1 s16, s17;
	s17 =	sadd.s32 $0x20, s14  }
0x1a: {  	s20 =	smov.u32 @p2 s17  }
0x1b: {  	s18 =	smov.u32 @p2 s4;
	p2 =	sgt.s32 s20, $0x1F  }
0x1c: {  	s20 =	smov.u32 @p2 s3;
	p2 =	sne.s32 s15, s9  }
.Ltmp1:
0x1d: {  	p0 =	por !p0, !p0;
	s19 =	simm.s32 @!p1 $0x2;
	(pc) =	sbr.rel @!p2 .LBB1_8-.Ltmp1, $4  }
0x1e: {  	s17 =	smov.u32 s12;
	s12 =	smov.u32 s14;
	s16 =	sand.u32 @!p1 $0x3FFFFFFE, s16  }
0x1f: {  	_ =	swait.ge @!p1 [sflag:s19], s16;
	s21 =	ssub.s32 @!p1 $0x0, s16;
	s16 =	smov.u32 s11  }
0x20: {  	s15 =	sadd.s32 $0x1, s15;
	s11 =	smov.u32 s13;
	[sflag:s19] =	ssyncset.done @!p1 $0x0  }
0x21: {  	s13 =	smov.u32 s18;
	s14 =	smov.u32 s20;
	[sflag:s19] =	ssyncadd.s32 @!p1 s21  }
.LBB1_1:
0x22: {  	p1 =	sge.u32 s15, s6  }
0x23: {  	s18 =	sxor.u32 @!p1 $0xFFFFFFFF, s15;
	s19 =	sshll.u32 @!p1 s14, $0x12  }
0x24: {  	s20 =	sshll.u32 @!p1 s13, $0x4;
	s22 =	simm.s32 @!p1 $0x40;
	s23 =	simm.s32 @!p1 $0x80  }
0x25: {  	s18 =	sshll.u32 @!p1 s18, $0xE;
	s20 =	sand.u32 @!p1 $0x3FFF0, s20;
	s21 =	sadd.s32 @!p1 s7, s19  }
0x26: {  	s19 =	sadd.s32 @!p1 s19, s8;
	s18 =	sand.u32 @!p1 $0x4000, s18;
	s21 =	sadd.s32 @!p1 s20, s21  }
0x27: {  	[tilespmem:s18], [sflag:$0x1] =	stream.strided.gather @!p1 [hbm4b:s21+s22], $0x2000, s23, s22, $0x38;
	[tilespmem:$0x10100] =	vst v63  }
0x28: {  	s31 =	sadd.s32 $0xFFFFFFFF, s15;
	s19 =	sadd.s32 @!p1 s20, s19;
	s18 =	sor.u32 @!p1 $0x2000, s18  }
0x29: {  	[tilespmem:s18], [sflag:$0x1] =	stream.strided.gather @!p1 [hbm4b:s19+s22], $0x2000, s23, s22, $0x38;
	[tilespmem:$0x10100] =	vst v63  }
0x2a: {  	p1 =	sge.u32 s31, s6  }
.Ltmp2:
0x2b: {  	_ = 	snop;
	(pc) =	sbr.rel @p1 .LBB1_7-.Ltmp2, $1  }
0x2c: {  	_ =	sdelay $0x3  }
0x2d: {  	s18 =	simm.s32 $0x1;
	s20 =	sand.u32 $0x1, s15  }
0x2e: {  	_ =	swait.ge [sflag:s5], $0x4000;
	s18 =	simm.s32 @!p0 $0x0;
	s20 =	smul.u32 $0x10200, s20  }
0x2f: {  	p2 =	por $0x1, $0x1;
	[sflag:s5] =	ssyncset.done $0x0;
	s19 =	smul.u32 $0x10200, s18  }
0x30: {  	s21 =	sshll.u32 s18, $0x10;
	[sflag:s5] =	ssyncadd.s32 $0xFFFFC000;
	s30 =	sshrl.u32 s20, $0x2  }
0x31: {  	s31 =	sshrl.u32 s21, $0x2;
	s21 =	simm.s32 $0x0;
	s19 =	sshrl.u32 s19, $0x2  }
0x32: {  	s18 =	sor.u32 $0x8000, s30;
	s20 =	sadd.s32 $0x20, s31;
	s19 =	sor.u32 $0x8000, s19  }
.LBB1_3:
0x33: {  	s22 =	sshll.u32 s21, $0xD  }
0x34: {  	s22 =	sand.u32 $0x3FFFE000, s22  }
0x35: {  	s24 =	sadd.s32 s22, s20  }
0x36: {  	s31 =	smul.u32 $0x204, s21;
	v3 =	vld [tilespmem:s24+$0x10]  }
0x37: {  	v1 =	vld [tilespmem:s24+$0xFFFFFFF0]  }
0x38: {  	s21 =	sshra.s32 s31, $0x2;
	v0 =	vld [tilespmem:s24+$0x0]  }
0x39: {  	s21 =	sadd.s32 s21, s19;
	v2 =	vld [tilespmem:s24+$0xFFFFFFE0]  }
0x3a: {  	s22 =	sadd.s32 $0x0, s21  }
0x3b: {  	p1 =	por p2, p2;
	s23 =	simm.s32 $0x4;
	s24 =	sadd.s32 $0x40, s24;
	[tilespmem:s22+$0x3060 ss:$0x102] =	vst.msk $0xffff, v3  }
.LBB1_4:
0x3c: {  	v3 =	vld [tilespmem:s24+$0x10];
	p2 =	sne.s32 s23, $0x1FC;
	[tilespmem:s22+$0x1020 ss:$0x102] =	vst.msk $0xffff, v1;
	s25 =	smov.u32 s23;
	s23 =	sadd.s32 $0x4, s23  }
.Ltmp3:
0x3d: {  	v1 =	vld [tilespmem:s24+$0xFFFFFFF0];
	[tilespmem:s22+$0x2040 ss:$0x102] =	vst.msk $0xffff, v0;
	(pc) =	sbr.rel @p2 .LBB1_4-.Ltmp3, $4  }
0x3e: {  	v0 =	vld [tilespmem:s24+$0x0];
	[tilespmem:s22+$0x0 ss:$0x102] =	vst.msk $0xffff, v2  }
0x3f: {  	s22 =	sshra.s32 s25, $0x2;
	v2 =	vld [tilespmem:s24+$0xFFFFFFE0]  }
0x40: {  	s22 =	sadd.s32 s22, s21  }
0x41: {  	s24 =	sadd.s32 $0x40, s24;
	[tilespmem:s22+$0x3060 ss:$0x102] =	vst.msk $0xffff, v3  }
.Ltmp4:
0x42: {  	(pc) =	sbr.rel @p1 .LBB1_3-.Ltmp4, $4  }
0x43: {  	_ = 	snop  }
0x44: {  	[tilespmem:s22+$0x1020 ss:$0x102] =	vst.msk $0xffff, v1  }
0x45: {  	[tilespmem:s22+$0x2040 ss:$0x102] =	vst.msk $0xffff, v0  }
0x46: {  	s21 =	simm.s32 $0x1;
	p2 =	por $0x0, $0x0;
	[tilespmem:s22+$0x0 ss:$0x102] =	vst.msk $0xffff, v2  }
0x47: {  	s19 =	sand.u32 $0x78, s11;
	p1 =	sgt.s32 s12, $0x1E;
	s20 =	smov.u32 s12  }
0x48: {  	s21 =	sshra.s32 s12, $0x1F;
	s22 =	sshll.u32 s12, $0xE;
	s23 =	sshll.u32 s11, $0x3  }
0x49: {  	s30 =	sshra.s32 s11, $0x1F;
	s25 =	sshll.u32 s12, $0x7;
	s20 =	simm.s32 @!p1 $0x1E  }
0x4a: {  	s21 =	sand.u32 s21, s12;
	s22 =	sand.u32 $0x60000, s22;
	p1 =	sgt.s32 s11, $0x3F80  }
0x4b: {  	s25 =	sand.u32 $0x380, s25;
	s20 =	ssub.s32 s20, s21;
	s21 =	smov.u32 s11  }
0x4c: {  	s22 =	sadd.s32 s22, s23;
	s24 =	sadd.s32 $0xFFFFFFE2, s20;
	s21 =	simm.s32 @!p1 $0x3F80  }
0x4d: {  	s20 =	ssub.s32 $0x20, s20;
	p1 =	sgt.s32 s24, $0x1;
	s24 =	sand.u32 s30, s11  }
0x4e: {  	s23 =	sand.u32 $0x3C00, s23;
	s20 =	smul.u32 $0x32, s20;
	s21 =	ssub.s32 s21, s24  }
0x4f: {  	s19 =	sor.u32 s25, s19;
	s22 =	sand.u32 $0x7C000, s22;
	s24 =	sadd.s32 $0xFFFFC080, s21  }
0x50: {  	s20 =	simm.s32 @p1 $0x0;
	s21 =	ssub.s32 $0x4000, s21;
	p1 =	sgt.s32 s24, $0x7F  }
.Ltmp5:
0x51: {  	s19 =	sor.u32 s23, s19;
	s21 =	simm.s32 @p1 $0x0;
	(pc) =	sbr.rel .LBB1_7-.Ltmp5, $4  }
0x52: {  	s31 =	sand.u32 $0x7, s11;
	s19 =	sor.u32 s22, s19;
	s20 =	smul.u32 s21, s20  }
0x53: {  	s19 =	sshrl.u32 s19, $0x3;
	s21 =	sshll.u32 s31, $0x12  }
0x54: {  	s19 =	sadd.s32 s2, s19;
	s21 =	sor.u32 $0x100, s21;
	s20 =	sand.u32 $0x3FFFFFFE, s20  }
0x55: {  	[hbm4b:s19+s21] =	stream.strided.scatter [tilespmem:s18], [sflag:$0x2], s20, s10, s21, $0x20;
	[tilespmem:$0x10100] =	vst v63  }
.LBB1_8:
0x56: {  	_ =	sfence.sel $0x180000  }
0x57: {  	s2 =	simm.s32 $0x1;
	[bflag:$0x0] =	sbarrier.arrive $0xFFFF  }
0x58: {  	s31 =	simm.s32 $0x2;
	[sflag:s2] =	ssyncpa.u1 $0x1  }
0x59: {  	[sflag:s31] =	ssyncpa.u1 $0x1  }
0x5a: {  	p0 =	sne.s32 s1, $0x0;
	_ =	strace $0x9000004D  }
0x5b: {  	s0 =	sadd.s32 @!p0 $0x100000, s0;
	[bflag:$0x2] =	sbarrier.arrive $0xFFFF  }
0x5c: {  	[sflag:s0] =	ssyncadd.tile.s32 @!p0 $0x1;
	_ =	shalt  }
.Lfunc_end1:
_tile_overlayer_lowered:
.L_overlay_start_2:
0x5d: {  	(tag) =	ssettag $0x2  }
0x5e: {  	s0 =	rddreg [dreg:$0x0];
	s2 =	stileid.u32  }
0x5f: {  	s1 =	rddreg [dreg:$0x1];
	p0 =	sne.s32 s2, $0x0  }
0x60: {  	s3 =	rddreg [dreg:$0x2];
	[bflag:$0x3] =	sbarrier.arrive $0xFFFF;
	s2 =	simm.s32 @!p0 $0x1C01  }
0x61: {  	[timem:s3], [sflag:s2] =	dma.local @!p0 [hbm:s0], s1  }
0x62: {  	s0 =	simm.s32 @!p0 $0x1  }
0x63: {  	_ =	swait.ge @!p0 [sflag:s0], s1  }
0x64: {  	s1 =	ssub.s32 @!p0 $0x0, s1;
	[sflag:s0] =	ssyncset.done @!p0 $0x0  }
0x65: {  	[sflag:s0] =	ssyncadd.s32 @!p0 s1  }
0x66: {  	[bflag:$0x3] =	sbarrier.arrive $0xFFFF  }
0x67: {  	_ =	shalt  }

</sc_bundles>
